<compile_context>
chip_gen: v7x
topology: tpu7x:2x2x1
jax: 0.10.2.dev20260603
libtpu: 0.0.44.dev20260713+nightly
codegen_flags: <defaults>
</compile_context>

<pallas_src>
import functools

import jax
import jax.numpy as jnp
from jax import lax
from jax.experimental import pallas as pl
from jax.experimental.pallas import tpu as pltpu
from jax.experimental.pallas import tpu_sc as plsc

_ALPHA = 0.5
_BETA = 0.5
_SMOOTH = 1.0
_TOP_PERCENT = 0.05
_TAU = 0.1
_BCE_WEIGHT = 0.5
_FOCAL_WEIGHT = 0.5
_EPS = 1e-12

_NBINS = 1024
_NWORKERS = 32
_LANES = 16
_MIN32 = -2147483648
_MAX31 = 0x7FFFFFFF


def _sc_hist_body(has_prefix, m_per_tile, x_hbm, pfx_hbm, out_hbm, x_v, pfx_v,
                  histl_v, histr_v, sem):
    wid = lax.axis_index("s") * 2 + lax.axis_index("c")
    pltpu.sync_copy(x_hbm.at[pl.ds(wid * m_per_tile, 16)], x_v.at[pl.ds(0, 16)])
    pltpu.sync_copy(pfx_hbm, pfx_v)
    pfx = pfx_v[...]

    lane = lax.iota(jnp.int32, 16)
    one_v = jnp.ones((16,), jnp.float32)
    zero_v = jnp.zeros((16,), jnp.float32)

    def zbody(i, c):
        histl_v[pl.ds(i * 16, 16)] = zero_v
        return c

    lax.fori_loop(0, 1, zbody, 0)

    def hbody(i, c):
        xv = x_v[pl.ds(i * 16, 16)]
        b = lax.bitcast_convert_type(xv, jnp.int32)
        u = jnp.where(b < 0, ~b, b | _MIN32)
        if has_prefix:
            bn = lax.shift_right_logical(u, 12) & jnp.int32(_NBINS - 1)
            active = lax.shift_right_logical(u, 22) == pfx
            plsc.addupdate_scatter(histl_v, [lane * _NBINS + bn], one_v,
                                   mask=active)
        else:
            bn = lax.shift_right_logical(u, 22)
            plsc.addupdate_scatter(histl_v, [lane * _NBINS + bn], one_v)
        return c

    lax.fori_loop(0, 1, hbody, 0)

    def rbody(i, c):
        acc = zero_v
        for l in range(_LANES):
            acc = acc + histl_v[pl.ds(l * _NBINS + i * 16, 16)]
        histr_v[pl.ds(i * 16, 16)] = acc
        return c

    lax.fori_loop(0, 1, rbody, 0)
    pltpu.sync_copy(histr_v, out_hbm.at[wid])


def _sc_hist_pass(x_flat, pfx_vec, has_prefix):
    n = x_flat.shape[0]
    m_per_tile = n // _NWORKERS
    mesh = plsc.VectorSubcoreMesh(core_axis_name="c", subcore_axis_name="s",
                                  num_cores=2, num_subcores=16)
    kern = pl.kernel(
        functools.partial(_sc_hist_body, has_prefix, m_per_tile),
        out_type=jax.ShapeDtypeStruct((_NWORKERS, _NBINS), jnp.float32),
        mesh=mesh,
        scratch_types=[
            pltpu.VMEM((m_per_tile,), jnp.float32),
            pltpu.VMEM((16,), jnp.int32),
            pltpu.VMEM((_NBINS * _LANES,), jnp.float32),
            pltpu.VMEM((_NBINS,), jnp.float32),
            pltpu.SemaphoreType.DMA,
        ],
        compiler_params=pltpu.CompilerParams(needs_layout_passes=False),
    )
    return kern(x_flat, pfx_vec)


def _pick_bin(hists, k):
    h = jnp.sum(hists, axis=0)
    rc = jnp.cumsum(h[::-1])[::-1]
    sel = jnp.sum((rc >= k).astype(jnp.int32)) - 1
    above = jnp.where(sel < _NBINS - 1, rc[jnp.minimum(sel + 1, _NBINS - 1)], 0)
    return sel, k - above


def _loss_kernel(q_ref, logits_ref, targets_ref, out_ref):
    x = logits_ref[...]
    t = targets_ref[...].astype(jnp.float32)
    q = q_ref[0]

    p = 1.0 / (1.0 + jnp.exp(-x))
    m = 1.0 / (1.0 + jnp.exp((q - p) / _TAU))
    p_c = jnp.clip(p, _EPS, 1.0 - _EPS)
    bce = -(t * jnp.log(p_c) + (1.0 - t) * jnp.log(1.0 - p_c))
    one_minus_pt = jnp.where(t == 1.0, 1.0 - p, p)
    focal = one_minus_pt * one_minus_pt * bce

    sum_t = jnp.sum(t)
    sum_m = jnp.sum(m)
    sum_mt = jnp.sum(m * t)
    sum_bce = jnp.sum(bce)
    sum_focal = jnp.sum(focal)

    n = jnp.float32(x.size)
    tp = sum_mt
    fp = sum_m - sum_mt
    fn = sum_t - sum_mt
    tversky = (tp + _SMOOTH) / (tp + _ALPHA * fp + _BETA * fn + _SMOOTH)
    loss = (1.0 - tversky) + _BCE_WEIGHT * sum_bce / n + _FOCAL_WEIGHT * sum_focal / n
    out_ref[0, 0] = loss


def kernel(logits, targets, metadata=0):
    n = logits.size
    k = max(1, int(_TOP_PERCENT * n))
    x_flat = logits.reshape(-1)

    zeros16 = jnp.zeros((16,), jnp.int32)
    h1 = _sc_hist_pass(x_flat, zeros16, has_prefix=False)
    bin1, k2 = _pick_bin(h1, k)
    h2 = _sc_hist_pass(x_flat, jnp.full((16,), bin1, jnp.int32), has_prefix=True)
    bin2, _ = _pick_bin(h2, k2)

    u20 = jnp.left_shift(bin1, 22) | jnp.left_shift(bin2, 12)
    b_k = jnp.where(u20 < 0, u20 & _MAX31, ~u20)
    x_k = lax.bitcast_convert_type(b_k, jnp.float32)
    q = (1.0 / (1.0 + jnp.exp(-x_k))).reshape(1)

    out = pl.pallas_call(
        _loss_kernel,
        out_shape=jax.ShapeDtypeStruct((1, 1), jnp.float32),
        in_specs=[
            pl.BlockSpec(memory_space=pltpu.SMEM),
            pl.BlockSpec(memory_space=pltpu.MemorySpace.VMEM),
            pl.BlockSpec(memory_space=pltpu.MemorySpace.VMEM),
        ],
        out_specs=pl.BlockSpec(memory_space=pltpu.SMEM),
    )(q, logits, targets)
    return out[0, 0]

# --- scband reference (transcript-rebuilt; emitter-appended) ---
"""Pipeline reference for scband-tversky-top-loss-83253646066316 (READ-ONLY COPY).

The authoritative reference and input builder live on the scoring server;
editing this copy changes nothing except your own understanding.
"""

import jax, jax.numpy as jnp
import numpy as np

ALPHA = 0.5
BETA = 0.5
SMOOTH = 1.0
TOP_PERCENT = 0.05
TAU = 0.1
BCE_WEIGHT = 0.5
FOCAL_WEIGHT = 0.5
FOCAL_GAMMA = 2.0
EPS = 1e-12


def setup_inputs(seed: int = 0) -> dict:
    key = jax.random.key(seed)
    k1, k2 = jax.random.split(key)
    logits = jax.random.normal(k1, (64, 8192), dtype=jnp.float32)
    targets = jax.random.randint(k2, (64, 8192), 0, 2, dtype=jnp.int64)
    return {"logits": logits, "targets": targets, "metadata": 0}


def reference(logits, targets, metadata=0):
    probs = jax.nn.sigmoid(logits).reshape(-1)
    t = targets.reshape(-1).astype(jnp.float32)
    N = probs.size
    k = max(1, int(TOP_PERCENT * N))
    topk_vals, _ = jax.lax.top_k(probs, k)
    q = jnp.min(topk_vals)
    m = jax.nn.sigmoid((probs - q) / TAU)
    TP = jnp.sum(m * t)
    FP = jnp.sum(m * (1.0 - t))
    FN = jnp.sum((1.0 - m) * t)
    tversky_coeff = (TP + SMOOTH) / (TP + ALPHA * FP + BETA * FN + SMOOTH)
    loss = 1.0 - tversky_coeff
    # BCE term
    p_c = jnp.clip(probs, EPS, 1.0 - EPS)
    bce_elem = -(t * jnp.log(p_c) + (1.0 - t) * jnp.log(1.0 - p_c))
    loss = loss + BCE_WEIGHT * jnp.mean(bce_elem)
    # Focal term
    pt = jnp.where(t == 1.0, probs, 1.0 - probs)
    focal_term = (1.0 - pt) ** FOCAL_GAMMA * bce_elem
    loss = loss + FOCAL_WEIGHT * jnp.mean(focal_term)
    return loss

if __name__ == "__main__":
    import jax
    _d = setup_inputs()
    print(jax.jit(kernel)(*tuple(_d.values())))

</pallas_src>

<mosaic_0001>
#map = affine_map<(d0, d1) -> (0)>
#map1 = affine_map<(d0, d1) -> (0, 0)>
module attributes {stable_mosaic.version = 14 : i64} {
  func.func @_sc_hist_body(%arg0: i32, %arg1: i32, %arg2: memref<524288xf32, #tpu.memory_space<hbm>>, %arg3: memref<16xi32, #tpu.memory_space<hbm>>, %arg4: memref<32x1024xf32, #tpu.memory_space<hbm>>, %arg5: memref<16384xf32, #tpu.memory_space<vmem>>, %arg6: memref<16xi32, #tpu.memory_space<vmem>>, %arg7: memref<16384xf32, #tpu.memory_space<vmem>>, %arg8: memref<1024xf32, #tpu.memory_space<vmem>>, %arg9: memref<!tpu.dma_semaphore, #tpu.memory_space<semaphore_mem>>) attributes {dimension_semantics = [#tpu.dimension_semantics<core_parallel>, #tpu.dimension_semantics<subcore_parallel>], iteration_bounds = array<i64: 2, 16>, scalar_prefetch = 0 : i64, scratch_operands = 5 : i64, tpu.core_type = #tpu.core_type<sc_vector_subcore>, window_params = [{transform_indices = #map}, {transform_indices = #map}, {transform_indices = #map1}]} {
    %mul3A = arith.constant 2 : i32
    %mul3A_0 = arith.muli %arg1, %mul3A : i32
    %add3A = arith.addi %mul3A_0, %arg0 : i32
    %mul3A_1 = arith.constant 16384 : i32
    %mul3A_2 = arith.muli %add3A, %mul3A_1 : i32
    "tpu.region"() ({
      %run_scoped3A = tpu.sem_alloc : memref<!tpu.dma_semaphore, #tpu.memory_space<semaphore_mem>>
      %dma_start3A = arith.constant 0 : i32
      %dma_start3A_154 = tpu.memref_slice %arg5[%dma_start3A] : memref<16384xf32, #tpu.memory_space<vmem>> -> memref<16xf32, #tpu.memory_space<vmem>>
      %dma_start3A_155 = tpu.memref_slice %arg2[%mul3A_2] : memref<524288xf32, #tpu.memory_space<hbm>> -> memref<16xf32, #tpu.memory_space<hbm>>
      %dma_start3A_156 = arith.constant 0 : i32
      %dma_start3A_157 = tpu.memref_slice %arg5[%dma_start3A_156] : memref<16384xf32, #tpu.memory_space<vmem>> -> memref<16xf32, #tpu.memory_space<vmem>>
      %dma_start3A_158 = tpu.memref_slice %arg2[%mul3A_2] : memref<524288xf32, #tpu.memory_space<hbm>> -> memref<16xf32, #tpu.memory_space<hbm>>
      tpu.enqueue_dma source(%dma_start3A_158 : memref<16xf32, #tpu.memory_space<hbm>>) target(%dma_start3A_157 : memref<16xf32, #tpu.memory_space<vmem>>) target_semaphore(%run_scoped3A : memref<!tpu.dma_semaphore, #tpu.memory_space<semaphore_mem>>)
      %dma_wait3A = arith.constant 0 : i32
      %dma_wait3A_159 = tpu.memref_slice %arg5[%dma_wait3A] : memref<16384xf32, #tpu.memory_space<vmem>> -> memref<16xf32, #tpu.memory_space<vmem>>
      %dma_wait3A_160 = tpu.memref_slice %arg2[%mul3A_2] : memref<524288xf32, #tpu.memory_space<hbm>> -> memref<16xf32, #tpu.memory_space<hbm>>
      %dma_wait3A_161 = arith.constant 0 : i32
      %dma_wait3A_162 = tpu.memref_slice %arg5[%dma_wait3A_161] : memref<16384xf32, #tpu.memory_space<vmem>> -> memref<16xf32, #tpu.memory_space<vmem>>
      %dma_wait3A_163 = tpu.memref_slice %arg2[%mul3A_2] : memref<524288xf32, #tpu.memory_space<hbm>> -> memref<16xf32, #tpu.memory_space<hbm>>
      tpu.wait_dma2 semaphore(%run_scoped3A : memref<!tpu.dma_semaphore, #tpu.memory_space<semaphore_mem>>) src(%dma_wait3A_163 : memref<16xf32, #tpu.memory_space<hbm>>) dst(%dma_wait3A_162 : memref<16xf32, #tpu.memory_space<vmem>>)
      tpu.yield
    }) : () -> ()
    "tpu.region"() ({
      %run_scoped3A = tpu.sem_alloc : memref<!tpu.dma_semaphore, #tpu.memory_space<semaphore_mem>>
      tpu.enqueue_dma source(%arg3 : memref<16xi32, #tpu.memory_space<hbm>>) target(%arg6 : memref<16xi32, #tpu.memory_space<vmem>>) target_semaphore(%run_scoped3A : memref<!tpu.dma_semaphore, #tpu.memory_space<semaphore_mem>>)
      tpu.wait_dma2 semaphore(%run_scoped3A : memref<!tpu.dma_semaphore, #tpu.memory_space<semaphore_mem>>) src(%arg3 : memref<16xi32, #tpu.memory_space<hbm>>) dst(%arg6 : memref<16xi32, #tpu.memory_space<vmem>>)
      tpu.yield
    }) : () -> ()
    %get3A = arith.constant 0 : index
    %get3A_3 = tpu.vector_load %arg6[%get3A] {strides = array<i32>} : memref<16xi32, #tpu.memory_space<vmem>>, vector<16xi32>,
    %iota3A = tpu.iota {dimensions = array<i32: 0>} : vector<16xi32>
    %broadcast_in_dim3A = arith.constant 1.000000e+00 : f32
    %broadcast_in_dim3A_4 = vector.broadcast %broadcast_in_dim3A : f32 to vector<16xf32>
    %broadcast_in_dim3A_5 = arith.constant 0.000000e+00 : f32
    %broadcast_in_dim3A_6 = vector.broadcast %broadcast_in_dim3A_5 : f32 to vector<16xf32>
    %scan3A = arith.constant 0 : i32
    %scan3A_7 = arith.constant 0 : i32
    %mul3A_8 = arith.constant 16 : i32
    %mul3A_9 = arith.muli %scan3A_7, %mul3A_8 : i32
    %swap3A = arith.index_cast %mul3A_9 : i32 to index
    %swap3A_10 = tpu.vector_load %arg7[%swap3A] {strides = array<i32>} : memref<16384xf32, #tpu.memory_space<vmem>>, vector<16xf32>,
    tpu.vector_store %arg7[%swap3A], %broadcast_in_dim3A_6 {strides = array<i32>} : memref<16384xf32, #tpu.memory_space<vmem>>, vector<16xf32>,
    %scan3A_11 = arith.constant 1 : i32
    %scan3A_12 = arith.constant 0 : i32
    %scan3A_13 = arith.constant 0 : i32
    %mul3A_14 = arith.constant 16 : i32
    %mul3A_15 = arith.muli %scan3A_13, %mul3A_14 : i32
    %get3A_16 = arith.index_cast %mul3A_15 : i32 to index
    %get3A_17 = tpu.vector_load %arg5[%get3A_16] {strides = array<i32>} : memref<16384xf32, #tpu.memory_space<vmem>>, vector<16xf32>,
    %bitcast_convert_type3A = tpu.bitcast %get3A_17 : vector<16xf32> -> vector<16xi32>
    %lt3A = arith.constant 0 : i32
    %lt3A_18 = vector.broadcast %lt3A : i32 to vector<16xi32>
    %lt3A_19 = arith.cmpi slt, %bitcast_convert_type3A, %lt3A_18 : vector<16xi32>
    %not3A = arith.constant dense<-1> : vector<16xi32>
    %not3A_20 = arith.xori %bitcast_convert_type3A, %not3A : vector<16xi32>
    %or3A = arith.constant -2147483648 : i32
    %or3A_21 = vector.broadcast %or3A : i32 to vector<16xi32>
    %or3A_22 = arith.ori %bitcast_convert_type3A, %or3A_21 : vector<16xi32>
    %select_n3A = arith.select %lt3A_19, %not3A_20, %or3A_22 : vector<16xi1>, vector<16xi32>
    %shift_right_logical3A = arith.constant 12 : i32
    %shift_right_logical3A_23 = vector.broadcast %shift_right_logical3A : i32 to vector<16xi32>
    %shift_right_logical3A_24 = arith.shrui %select_n3A, %shift_right_logical3A_23 : vector<16xi32>
    %and3A = arith.constant 1023 : i32
    %and3A_25 = vector.broadcast %and3A : i32 to vector<16xi32>
    %and3A_26 = arith.andi %shift_right_logical3A_24, %and3A_25 : vector<16xi32>
    %shift_right_logical3A_27 = arith.constant 22 : i32
    %shift_right_logical3A_28 = vector.broadcast %shift_right_logical3A_27 : i32 to vector<16xi32>
    %shift_right_logical3A_29 = arith.shrui %select_n3A, %shift_right_logical3A_28 : vector<16xi32>
    %eq3A = arith.cmpi eq, %shift_right_logical3A_29, %get3A_3 : vector<16xi32>
    %mul3A_30 = arith.constant 1024 : i32
    %mul3A_31 = vector.broadcast %mul3A_30 : i32 to vector<16xi32>
    %mul3A_32 = arith.muli %iota3A, %mul3A_31 : vector<16xi32>
    %add3A_33 = arith.addi %mul3A_32, %and3A_26 : vector<16xi32>
    tpu.vector_store_idx %arg7[%add3A_33], %broadcast_in_dim3A_4 masked %eq3A {add = true} : memref<16384xf32, #tpu.memory_space<vmem>>[vector<16xi32>], vector<16xf32>, vector<16xi1>
    %scan3A_34 = arith.constant 1 : i32
    %scan3A_35 = arith.constant 0 : i32
    %scan3A_36 = arith.constant 0 : i32
    %mul3A_37 = arith.constant 16 : i32
    %mul3A_38 = arith.muli %scan3A_36, %mul3A_37 : i32
    %add3A_39 = arith.constant 0 : i32
    %add3A_40 = arith.addi %add3A_39, %mul3A_38 : i32
    %get3A_41 = arith.index_cast %add3A_40 : i32 to index
    %get3A_42 = tpu.vector_load %arg7[%get3A_41] {strides = array<i32>} : memref<16384xf32, #tpu.memory_space<vmem>>, vector<16xf32>,
    %add3A_43 = arith.addf %broadcast_in_dim3A_6, %get3A_42 : vector<16xf32>
    %mul3A_44 = arith.constant 16 : i32
    %mul3A_45 = arith.muli %scan3A_36, %mul3A_44 : i32
    %add3A_46 = arith.constant 1024 : i32
    %add3A_47 = arith.addi %add3A_46, %mul3A_45 : i32
    %get3A_48 = arith.index_cast %add3A_47 : i32 to index
    %get3A_49 = tpu.vector_load %arg7[%get3A_48] {strides = array<i32>} : memref<16384xf32, #tpu.memory_space<vmem>>, vector<16xf32>,
    %add3A_50 = arith.addf %add3A_43, %get3A_49 : vector<16xf32>
    %mul3A_51 = arith.constant 16 : i32
    %mul3A_52 = arith.muli %scan3A_36, %mul3A_51 : i32
    %add3A_53 = arith.constant 2048 : i32
    %add3A_54 = arith.addi %add3A_53, %mul3A_52 : i32
    %get3A_55 = arith.index_cast %add3A_54 : i32 to index
    %get3A_56 = tpu.vector_load %arg7[%get3A_55] {strides = array<i32>} : memref<16384xf32, #tpu.memory_space<vmem>>, vector<16xf32>,
    %add3A_57 = arith.addf %add3A_50, %get3A_56 : vector<16xf32>
    %mul3A_58 = arith.constant 16 : i32
    %mul3A_59 = arith.muli %scan3A_36, %mul3A_58 : i32
    %add3A_60 = arith.constant 3072 : i32
    %add3A_61 = arith.addi %add3A_60, %mul3A_59 : i32
    %get3A_62 = arith.index_cast %add3A_61 : i32 to index
    %get3A_63 = tpu.vector_load %arg7[%get3A_62] {strides = array<i32>} : memref<16384xf32, #tpu.memory_space<vmem>>, vector<16xf32>,
    %add3A_64 = arith.addf %add3A_57, %get3A_63 : vector<16xf32>
    %mul3A_65 = arith.constant 16 : i32
    %mul3A_66 = arith.muli %scan3A_36, %mul3A_65 : i32
    %add3A_67 = arith.constant 4096 : i32
    %add3A_68 = arith.addi %add3A_67, %mul3A_66 : i32
    %get3A_69 = arith.index_cast %add3A_68 : i32 to index
    %get3A_70 = tpu.vector_load %arg7[%get3A_69] {strides = array<i32>} : memref<16384xf32, #tpu.memory_space<vmem>>, vector<16xf32>,
    %add3A_71 = arith.addf %add3A_64, %get3A_70 : vector<16xf32>
    %mul3A_72 = arith.constant 16 : i32
    %mul3A_73 = arith.muli %scan3A_36, %mul3A_72 : i32
    %add3A_74 = arith.constant 5120 : i32
    %add3A_75 = arith.addi %add3A_74, %mul3A_73 : i32
    %get3A_76 = arith.index_cast %add3A_75 : i32 to index
    %get3A_77 = tpu.vector_load %arg7[%get3A_76] {strides = array<i32>} : memref<16384xf32, #tpu.memory_space<vmem>>, vector<16xf32>,
    %add3A_78 = arith.addf %add3A_71, %get3A_77 : vector<16xf32>
    %mul3A_79 = arith.constant 16 : i32
    %mul3A_80 = arith.muli %scan3A_36, %mul3A_79 : i32
    %add3A_81 = arith.constant 6144 : i32
    %add3A_82 = arith.addi %add3A_81, %mul3A_80 : i32
    %get3A_83 = arith.index_cast %add3A_82 : i32 to index
    %get3A_84 = tpu.vector_load %arg7[%get3A_83] {strides = array<i32>} : memref<16384xf32, #tpu.memory_space<vmem>>, vector<16xf32>,
    %add3A_85 = arith.addf %add3A_78, %get3A_84 : vector<16xf32>
    %mul3A_86 = arith.constant 16 : i32
    %mul3A_87 = arith.muli %scan3A_36, %mul3A_86 : i32
    %add3A_88 = arith.constant 7168 : i32
    %add3A_89 = arith.addi %add3A_88, %mul3A_87 : i32
    %get3A_90 = arith.index_cast %add3A_89 : i32 to index
    %get3A_91 = tpu.vector_load %arg7[%get3A_90] {strides = array<i32>} : memref<16384xf32, #tpu.memory_space<vmem>>, vector<16xf32>,
    %add3A_92 = arith.addf %add3A_85, %get3A_91 : vector<16xf32>
    %mul3A_93 = arith.constant 16 : i32
    %mul3A_94 = arith.muli %scan3A_36, %mul3A_93 : i32
    %add3A_95 = arith.constant 8192 : i32
    %add3A_96 = arith.addi %add3A_95, %mul3A_94 : i32
    %get3A_97 = arith.index_cast %add3A_96 : i32 to index
    %get3A_98 = tpu.vector_load %arg7[%get3A_97] {strides = array<i32>} : memref<16384xf32, #tpu.memory_space<vmem>>, vector<16xf32>,
    %add3A_99 = arith.addf %add3A_92, %get3A_98 : vector<16xf32>
    %mul3A_100 = arith.constant 16 : i32
    %mul3A_101 = arith.muli %scan3A_36, %mul3A_100 : i32
    %add3A_102 = arith.constant 9216 : i32
    %add3A_103 = arith.addi %add3A_102, %mul3A_101 : i32
    %get3A_104 = arith.index_cast %add3A_103 : i32 to index
    %get3A_105 = tpu.vector_load %arg7[%get3A_104] {strides = array<i32>} : memref<16384xf32, #tpu.memory_space<vmem>>, vector<16xf32>,
    %add3A_106 = arith.addf %add3A_99, %get3A_105 : vector<16xf32>
    %mul3A_107 = arith.constant 16 : i32
    %mul3A_108 = arith.muli %scan3A_36, %mul3A_107 : i32
    %add3A_109 = arith.constant 10240 : i32
    %add3A_110 = arith.addi %add3A_109, %mul3A_108 : i32
    %get3A_111 = arith.index_cast %add3A_110 : i32 to index
    %get3A_112 = tpu.vector_load %arg7[%get3A_111] {strides = array<i32>} : memref<16384xf32, #tpu.memory_space<vmem>>, vector<16xf32>,
    %add3A_113 = arith.addf %add3A_106, %get3A_112 : vector<16xf32>
    %mul3A_114 = arith.constant 16 : i32
    %mul3A_115 = arith.muli %scan3A_36, %mul3A_114 : i32
    %add3A_116 = arith.constant 11264 : i32
    %add3A_117 = arith.addi %add3A_116, %mul3A_115 : i32
    %get3A_118 = arith.index_cast %add3A_117 : i32 to index
    %get3A_119 = tpu.vector_load %arg7[%get3A_118] {strides = array<i32>} : memref<16384xf32, #tpu.memory_space<vmem>>, vector<16xf32>,
    %add3A_120 = arith.addf %add3A_113, %get3A_119 : vector<16xf32>
    %mul3A_121 = arith.constant 16 : i32
    %mul3A_122 = arith.muli %scan3A_36, %mul3A_121 : i32
    %add3A_123 = arith.constant 12288 : i32
    %add3A_124 = arith.addi %add3A_123, %mul3A_122 : i32
    %get3A_125 = arith.index_cast %add3A_124 : i32 to index
    %get3A_126 = tpu.vector_load %arg7[%get3A_125] {strides = array<i32>} : memref<16384xf32, #tpu.memory_space<vmem>>, vector<16xf32>,
    %add3A_127 = arith.addf %add3A_120, %get3A_126 : vector<16xf32>
    %mul3A_128 = arith.constant 16 : i32
    %mul3A_129 = arith.muli %scan3A_36, %mul3A_128 : i32
    %add3A_130 = arith.constant 13312 : i32
    %add3A_131 = arith.addi %add3A_130, %mul3A_129 : i32
    %get3A_132 = arith.index_cast %add3A_131 : i32 to index
    %get3A_133 = tpu.vector_load %arg7[%get3A_132] {strides = array<i32>} : memref<16384xf32, #tpu.memory_space<vmem>>, vector<16xf32>,
    %add3A_134 = arith.addf %add3A_127, %get3A_133 : vector<16xf32>
    %mul3A_135 = arith.constant 16 : i32
    %mul3A_136 = arith.muli %scan3A_36, %mul3A_135 : i32
    %add3A_137 = arith.constant 14336 : i32
    %add3A_138 = arith.addi %add3A_137, %mul3A_136 : i32
    %get3A_139 = arith.index_cast %add3A_138 : i32 to index
    %get3A_140 = tpu.vector_load %arg7[%get3A_139] {strides = array<i32>} : memref<16384xf32, #tpu.memory_space<vmem>>, vector<16xf32>,
    %add3A_141 = arith.addf %add3A_134, %get3A_140 : vector<16xf32>
    %mul3A_142 = arith.constant 16 : i32
    %mul3A_143 = arith.muli %scan3A_36, %mul3A_142 : i32
    %add3A_144 = arith.constant 15360 : i32
    %add3A_145 = arith.addi %add3A_144, %mul3A_143 : i32
    %get3A_146 = arith.index_cast %add3A_145 : i32 to index
    %get3A_147 = tpu.vector_load %arg7[%get3A_146] {strides = array<i32>} : memref<16384xf32, #tpu.memory_space<vmem>>, vector<16xf32>,
    %add3A_148 = arith.addf %add3A_141, %get3A_147 : vector<16xf32>
    %mul3A_149 = arith.constant 16 : i32
    %mul3A_150 = arith.muli %scan3A_36, %mul3A_149 : i32
    %swap3A_151 = arith.index_cast %mul3A_150 : i32 to index
    %swap3A_152 = tpu.vector_load %arg8[%swap3A_151] {strides = array<i32>} : memref<1024xf32, #tpu.memory_space<vmem>>, vector<16xf32>,
    tpu.vector_store %arg8[%swap3A_151], %add3A_148 {strides = array<i32>} : memref<1024xf32, #tpu.memory_space<vmem>>, vector<16xf32>,
    %scan3A_153 = arith.constant 1 : i32
    "tpu.region"() ({
      %run_scoped3A = tpu.sem_alloc : memref<!tpu.dma_semaphore, #tpu.memory_space<semaphore_mem>>
      %dma_start3A = arith.constant 0 : i32
      %dma_start3A_154 = tpu.memref_slice %arg4[%add3A, %dma_start3A] : memref<32x1024xf32, #tpu.memory_space<hbm>> -> memref<1x1024xf32, #tpu.memory_space<hbm>>
      %dma_start3A_155 = tpu.memref_squeeze %dma_start3A_154 : memref<1x1024xf32, #tpu.memory_space<hbm>> -> memref<1024xf32, #tpu.memory_space<hbm>>
      %dma_start3A_156 = arith.constant 0 : i32
      %dma_start3A_157 = tpu.memref_slice %arg4[%add3A, %dma_start3A_156] : memref<32x1024xf32, #tpu.memory_space<hbm>> -> memref<1x1024xf32, #tpu.memory_space<hbm>>
      %dma_start3A_158 = tpu.memref_squeeze %dma_start3A_157 : memref<1x1024xf32, #tpu.memory_space<hbm>> -> memref<1024xf32, #tpu.memory_space<hbm>>
      tpu.enqueue_dma source(%arg8 : memref<1024xf32, #tpu.memory_space<vmem>>) target(%dma_start3A_158 : memref<1024xf32, #tpu.memory_space<hbm>>) target_semaphore(%run_scoped3A : memref<!tpu.dma_semaphore, #tpu.memory_space<semaphore_mem>>)
      %dma_wait3A = arith.constant 0 : i32
      %dma_wait3A_159 = tpu.memref_slice %arg4[%add3A, %dma_wait3A] : memref<32x1024xf32, #tpu.memory_space<hbm>> -> memref<1x1024xf32, #tpu.memory_space<hbm>>
      %dma_wait3A_160 = tpu.memref_squeeze %dma_wait3A_159 : memref<1x1024xf32, #tpu.memory_space<hbm>> -> memref<1024xf32, #tpu.memory_space<hbm>>
      %dma_wait3A_161 = arith.constant 0 : i32
      %dma_wait3A_162 = tpu.memref_slice %arg4[%add3A, %dma_wait3A_161] : memref<32x1024xf32, #tpu.memory_space<hbm>> -> memref<1x1024xf32, #tpu.memory_space<hbm>>
      %dma_wait3A_163 = tpu.memref_squeeze %dma_wait3A_162 : memref<1x1024xf32, #tpu.memory_space<hbm>> -> memref<1024xf32, #tpu.memory_space<hbm>>
      tpu.wait_dma2 semaphore(%run_scoped3A : memref<!tpu.dma_semaphore, #tpu.memory_space<semaphore_mem>>) src(%arg8 : memref<1024xf32, #tpu.memory_space<vmem>>) dst(%dma_wait3A_163 : memref<1024xf32, #tpu.memory_space<hbm>>)
      tpu.yield
    }) : () -> ()
    return
  }
}

#map = affine_map<(d0, d1) -> (0)>
#map1 = affine_map<(d0, d1) -> (0, 0)>
module attributes {stable_mosaic.version = 14 : i64} {
  func.func @_sc_hist_body(%arg0: i32, %arg1: i32, %arg2: memref<524288xf32, #tpu.memory_space<hbm>>, %arg3: memref<16xi32, #tpu.memory_space<hbm>>, %arg4: memref<32x1024xf32, #tpu.memory_space<hbm>>, %arg5: memref<16384xf32, #tpu.memory_space<vmem>>, %arg6: memref<16xi32, #tpu.memory_space<vmem>>, %arg7: memref<16384xf32, #tpu.memory_space<vmem>>, %arg8: memref<1024xf32, #tpu.memory_space<vmem>>, %arg9: memref<!tpu.dma_semaphore, #tpu.memory_space<semaphore_mem>>) attributes {dimension_semantics = [#tpu.dimension_semantics<core_parallel>, #tpu.dimension_semantics<subcore_parallel>], iteration_bounds = array<i64: 2, 16>, scalar_prefetch = 0 : i64, scratch_operands = 5 : i64, tpu.core_type = #tpu.core_type<sc_vector_subcore>, window_params = [{transform_indices = #map}, {transform_indices = #map}, {transform_indices = #map1}]} {
    %mul3A = arith.constant 2 : i32
    %mul3A_0 = arith.muli %arg1, %mul3A : i32
    %add3A = arith.addi %mul3A_0, %arg0 : i32
    %mul3A_1 = arith.constant 16384 : i32
    %mul3A_2 = arith.muli %add3A, %mul3A_1 : i32
    "tpu.region"() ({
      %run_scoped3A = tpu.sem_alloc : memref<!tpu.dma_semaphore, #tpu.memory_space<semaphore_mem>>
      %dma_start3A = arith.constant 0 : i32
      %dma_start3A_149 = tpu.memref_slice %arg5[%dma_start3A] : memref<16384xf32, #tpu.memory_space<vmem>> -> memref<16xf32, #tpu.memory_space<vmem>>
      %dma_start3A_150 = tpu.memref_slice %arg2[%mul3A_2] : memref<524288xf32, #tpu.memory_space<hbm>> -> memref<16xf32, #tpu.memory_space<hbm>>
      %dma_start3A_151 = arith.constant 0 : i32
      %dma_start3A_152 = tpu.memref_slice %arg5[%dma_start3A_151] : memref<16384xf32, #tpu.memory_space<vmem>> -> memref<16xf32, #tpu.memory_space<vmem>>
      %dma_start3A_153 = tpu.memref_slice %arg2[%mul3A_2] : memref<524288xf32, #tpu.memory_space<hbm>> -> memref<16xf32, #tpu.memory_space<hbm>>
      tpu.enqueue_dma source(%dma_start3A_153 : memref<16xf32, #tpu.memory_space<hbm>>) target(%dma_start3A_152 : memref<16xf32, #tpu.memory_space<vmem>>) target_semaphore(%run_scoped3A : memref<!tpu.dma_semaphore, #tpu.memory_space<semaphore_mem>>)
      %dma_wait3A = arith.constant 0 : i32
      %dma_wait3A_154 = tpu.memref_slice %arg5[%dma_wait3A] : memref<16384xf32, #tpu.memory_space<vmem>> -> memref<16xf32, #tpu.memory_space<vmem>>
      %dma_wait3A_155 = tpu.memref_slice %arg2[%mul3A_2] : memref<524288xf32, #tpu.memory_space<hbm>> -> memref<16xf32, #tpu.memory_space<hbm>>
      %dma_wait3A_156 = arith.constant 0 : i32
      %dma_wait3A_157 = tpu.memref_slice %arg5[%dma_wait3A_156] : memref<16384xf32, #tpu.memory_space<vmem>> -> memref<16xf32, #tpu.memory_space<vmem>>
      %dma_wait3A_158 = tpu.memref_slice %arg2[%mul3A_2] : memref<524288xf32, #tpu.memory_space<hbm>> -> memref<16xf32, #tpu.memory_space<hbm>>
      tpu.wait_dma2 semaphore(%run_scoped3A : memref<!tpu.dma_semaphore, #tpu.memory_space<semaphore_mem>>) src(%dma_wait3A_158 : memref<16xf32, #tpu.memory_space<hbm>>) dst(%dma_wait3A_157 : memref<16xf32, #tpu.memory_space<vmem>>)
      tpu.yield
    }) : () -> ()
    "tpu.region"() ({
      %run_scoped3A = tpu.sem_alloc : memref<!tpu.dma_semaphore, #tpu.memory_space<semaphore_mem>>
      tpu.enqueue_dma source(%arg3 : memref<16xi32, #tpu.memory_space<hbm>>) target(%arg6 : memref<16xi32, #tpu.memory_space<vmem>>) target_semaphore(%run_scoped3A : memref<!tpu.dma_semaphore, #tpu.memory_space<semaphore_mem>>)
      tpu.wait_dma2 semaphore(%run_scoped3A : memref<!tpu.dma_semaphore, #tpu.memory_space<semaphore_mem>>) src(%arg3 : memref<16xi32, #tpu.memory_space<hbm>>) dst(%arg6 : memref<16xi32, #tpu.memory_space<vmem>>)
      tpu.yield
    }) : () -> ()
    %get3A = arith.constant 0 : index
    %get3A_3 = tpu.vector_load %arg6[%get3A] {strides = array<i32>} : memref<16xi32, #tpu.memory_space<vmem>>, vector<16xi32>,
    %iota3A = tpu.iota {dimensions = array<i32: 0>} : vector<16xi32>
    %broadcast_in_dim3A = arith.constant 1.000000e+00 : f32
    %broadcast_in_dim3A_4 = vector.broadcast %broadcast_in_dim3A : f32 to vector<16xf32>
    %broadcast_in_dim3A_5 = arith.constant 0.000000e+00 : f32
    %broadcast_in_dim3A_6 = vector.broadcast %broadcast_in_dim3A_5 : f32 to vector<16xf32>
    %scan3A = arith.constant 0 : i32
    %scan3A_7 = arith.constant 0 : i32
    %mul3A_8 = arith.constant 16 : i32
    %mul3A_9 = arith.muli %scan3A_7, %mul3A_8 : i32
    %swap3A = arith.index_cast %mul3A_9 : i32 to index
    %swap3A_10 = tpu.vector_load %arg7[%swap3A] {strides = array<i32>} : memref<16384xf32, #tpu.memory_space<vmem>>, vector<16xf32>,
    tpu.vector_store %arg7[%swap3A], %broadcast_in_dim3A_6 {strides = array<i32>} : memref<16384xf32, #tpu.memory_space<vmem>>, vector<16xf32>,
    %scan3A_11 = arith.constant 1 : i32
    %scan3A_12 = arith.constant 0 : i32
    %scan3A_13 = arith.constant 0 : i32
    %mul3A_14 = arith.constant 16 : i32
    %mul3A_15 = arith.muli %scan3A_13, %mul3A_14 : i32
    %get3A_16 = arith.index_cast %mul3A_15 : i32 to index
    %get3A_17 = tpu.vector_load %arg5[%get3A_16] {strides = array<i32>} : memref<16384xf32, #tpu.memory_space<vmem>>, vector<16xf32>,
    %bitcast_convert_type3A = tpu.bitcast %get3A_17 : vector<16xf32> -> vector<16xi32>
    %lt3A = arith.constant 0 : i32
    %lt3A_18 = vector.broadcast %lt3A : i32 to vector<16xi32>
    %lt3A_19 = arith.cmpi slt, %bitcast_convert_type3A, %lt3A_18 : vector<16xi32>
    %not3A = arith.constant dense<-1> : vector<16xi32>
    %not3A_20 = arith.xori %bitcast_convert_type3A, %not3A : vector<16xi32>
    %or3A = arith.constant -2147483648 : i32
    %or3A_21 = vector.broadcast %or3A : i32 to vector<16xi32>
    %or3A_22 = arith.ori %bitcast_convert_type3A, %or3A_21 : vector<16xi32>
    %select_n3A = arith.select %lt3A_19, %not3A_20, %or3A_22 : vector<16xi1>, vector<16xi32>
    %shift_right_logical3A = arith.constant 22 : i32
    %shift_right_logical3A_23 = vector.broadcast %shift_right_logical3A : i32 to vector<16xi32>
    %shift_right_logical3A_24 = arith.shrui %select_n3A, %shift_right_logical3A_23 : vector<16xi32>
    %mul3A_25 = arith.constant 1024 : i32
    %mul3A_26 = vector.broadcast %mul3A_25 : i32 to vector<16xi32>
    %mul3A_27 = arith.muli %iota3A, %mul3A_26 : vector<16xi32>
    %add3A_28 = arith.addi %mul3A_27, %shift_right_logical3A_24 : vector<16xi32>
    tpu.vector_store_idx %arg7[%add3A_28], %broadcast_in_dim3A_4 {add = true} : memref<16384xf32, #tpu.memory_space<vmem>>[vector<16xi32>], vector<16xf32>,
    %scan3A_29 = arith.constant 1 : i32
    %scan3A_30 = arith.constant 0 : i32
    %scan3A_31 = arith.constant 0 : i32
    %mul3A_32 = arith.constant 16 : i32
    %mul3A_33 = arith.muli %scan3A_31, %mul3A_32 : i32
    %add3A_34 = arith.constant 0 : i32
    %add3A_35 = arith.addi %add3A_34, %mul3A_33 : i32
    %get3A_36 = arith.index_cast %add3A_35 : i32 to index
    %get3A_37 = tpu.vector_load %arg7[%get3A_36] {strides = array<i32>} : memref<16384xf32, #tpu.memory_space<vmem>>, vector<16xf32>,
    %add3A_38 = arith.addf %broadcast_in_dim3A_6, %get3A_37 : vector<16xf32>
    %mul3A_39 = arith.constant 16 : i32
    %mul3A_40 = arith.muli %scan3A_31, %mul3A_39 : i32
    %add3A_41 = arith.constant 1024 : i32
    %add3A_42 = arith.addi %add3A_41, %mul3A_40 : i32
    %get3A_43 = arith.index_cast %add3A_42 : i32 to index
    %get3A_44 = tpu.vector_load %arg7[%get3A_43] {strides = array<i32>} : memref<16384xf32, #tpu.memory_space<vmem>>, vector<16xf32>,
    %add3A_45 = arith.addf %add3A_38, %get3A_44 : vector<16xf32>
    %mul3A_46 = arith.constant 16 : i32
    %mul3A_47 = arith.muli %scan3A_31, %mul3A_46 : i32
    %add3A_48 = arith.constant 2048 : i32
    %add3A_49 = arith.addi %add3A_48, %mul3A_47 : i32
    %get3A_50 = arith.index_cast %add3A_49 : i32 to index
    %get3A_51 = tpu.vector_load %arg7[%get3A_50] {strides = array<i32>} : memref<16384xf32, #tpu.memory_space<vmem>>, vector<16xf32>,
    %add3A_52 = arith.addf %add3A_45, %get3A_51 : vector<16xf32>
    %mul3A_53 = arith.constant 16 : i32
    %mul3A_54 = arith.muli %scan3A_31, %mul3A_53 : i32
    %add3A_55 = arith.constant 3072 : i32
    %add3A_56 = arith.addi %add3A_55, %mul3A_54 : i32
    %get3A_57 = arith.index_cast %add3A_56 : i32 to index
    %get3A_58 = tpu.vector_load %arg7[%get3A_57] {strides = array<i32>} : memref<16384xf32, #tpu.memory_space<vmem>>, vector<16xf32>,
    %add3A_59 = arith.addf %add3A_52, %get3A_58 : vector<16xf32>
    %mul3A_60 = arith.constant 16 : i32
    %mul3A_61 = arith.muli %scan3A_31, %mul3A_60 : i32
    %add3A_62 = arith.constant 4096 : i32
    %add3A_63 = arith.addi %add3A_62, %mul3A_61 : i32
    %get3A_64 = arith.index_cast %add3A_63 : i32 to index
    %get3A_65 = tpu.vector_load %arg7[%get3A_64] {strides = array<i32>} : memref<16384xf32, #tpu.memory_space<vmem>>, vector<16xf32>,
    %add3A_66 = arith.addf %add3A_59, %get3A_65 : vector<16xf32>
    %mul3A_67 = arith.constant 16 : i32
    %mul3A_68 = arith.muli %scan3A_31, %mul3A_67 : i32
    %add3A_69 = arith.constant 5120 : i32
    %add3A_70 = arith.addi %add3A_69, %mul3A_68 : i32
    %get3A_71 = arith.index_cast %add3A_70 : i32 to index
    %get3A_72 = tpu.vector_load %arg7[%get3A_71] {strides = array<i32>} : memref<16384xf32, #tpu.memory_space<vmem>>, vector<16xf32>,
    %add3A_73 = arith.addf %add3A_66, %get3A_72 : vector<16xf32>
    %mul3A_74 = arith.constant 16 : i32
    %mul3A_75 = arith.muli %scan3A_31, %mul3A_74 : i32
    %add3A_76 = arith.constant 6144 : i32
    %add3A_77 = arith.addi %add3A_76, %mul3A_75 : i32
    %get3A_78 = arith.index_cast %add3A_77 : i32 to index
    %get3A_79 = tpu.vector_load %arg7[%get3A_78] {strides = array<i32>} : memref<16384xf32, #tpu.memory_space<vmem>>, vector<16xf32>,
    %add3A_80 = arith.addf %add3A_73, %get3A_79 : vector<16xf32>
    %mul3A_81 = arith.constant 16 : i32
    %mul3A_82 = arith.muli %scan3A_31, %mul3A_81 : i32
    %add3A_83 = arith.constant 7168 : i32
    %add3A_84 = arith.addi %add3A_83, %mul3A_82 : i32
    %get3A_85 = arith.index_cast %add3A_84 : i32 to index
    %get3A_86 = tpu.vector_load %arg7[%get3A_85] {strides = array<i32>} : memref<16384xf32, #tpu.memory_space<vmem>>, vector<16xf32>,
    %add3A_87 = arith.addf %add3A_80, %get3A_86 : vector<16xf32>
    %mul3A_88 = arith.constant 16 : i32
    %mul3A_89 = arith.muli %scan3A_31, %mul3A_88 : i32
    %add3A_90 = arith.constant 8192 : i32
    %add3A_91 = arith.addi %add3A_90, %mul3A_89 : i32
    %get3A_92 = arith.index_cast %add3A_91 : i32 to index
    %get3A_93 = tpu.vector_load %arg7[%get3A_92] {strides = array<i32>} : memref<16384xf32, #tpu.memory_space<vmem>>, vector<16xf32>,
    %add3A_94 = arith.addf %add3A_87, %get3A_93 : vector<16xf32>
    %mul3A_95 = arith.constant 16 : i32
    %mul3A_96 = arith.muli %scan3A_31, %mul3A_95 : i32
    %add3A_97 = arith.constant 9216 : i32
    %add3A_98 = arith.addi %add3A_97, %mul3A_96 : i32
    %get3A_99 = arith.index_cast %add3A_98 : i32 to index
    %get3A_100 = tpu.vector_load %arg7[%get3A_99] {strides = array<i32>} : memref<16384xf32, #tpu.memory_space<vmem>>, vector<16xf32>,
    %add3A_101 = arith.addf %add3A_94, %get3A_100 : vector<16xf32>
    %mul3A_102 = arith.constant 16 : i32
    %mul3A_103 = arith.muli %scan3A_31, %mul3A_102 : i32
    %add3A_104 = arith.constant 10240 : i32
    %add3A_105 = arith.addi %add3A_104, %mul3A_103 : i32
    %get3A_106 = arith.index_cast %add3A_105 : i32 to index
    %get3A_107 = tpu.vector_load %arg7[%get3A_106] {strides = array<i32>} : memref<16384xf32, #tpu.memory_space<vmem>>, vector<16xf32>,
    %add3A_108 = arith.addf %add3A_101, %get3A_107 : vector<16xf32>
    %mul3A_109 = arith.constant 16 : i32
    %mul3A_110 = arith.muli %scan3A_31, %mul3A_109 : i32
    %add3A_111 = arith.constant 11264 : i32
    %add3A_112 = arith.addi %add3A_111, %mul3A_110 : i32
    %get3A_113 = arith.index_cast %add3A_112 : i32 to index
    %get3A_114 = tpu.vector_load %arg7[%get3A_113] {strides = array<i32>} : memref<16384xf32, #tpu.memory_space<vmem>>, vector<16xf32>,
    %add3A_115 = arith.addf %add3A_108, %get3A_114 : vector<16xf32>
    %mul3A_116 = arith.constant 16 : i32
    %mul3A_117 = arith.muli %scan3A_31, %mul3A_116 : i32
    %add3A_118 = arith.constant 12288 : i32
    %add3A_119 = arith.addi %add3A_118, %mul3A_117 : i32
    %get3A_120 = arith.index_cast %add3A_119 : i32 to index
    %get3A_121 = tpu.vector_load %arg7[%get3A_120] {strides = array<i32>} : memref<16384xf32, #tpu.memory_space<vmem>>, vector<16xf32>,
    %add3A_122 = arith.addf %add3A_115, %get3A_121 : vector<16xf32>
    %mul3A_123 = arith.constant 16 : i32
    %mul3A_124 = arith.muli %scan3A_31, %mul3A_123 : i32
    %add3A_125 = arith.constant 13312 : i32
    %add3A_126 = arith.addi %add3A_125, %mul3A_124 : i32
    %get3A_127 = arith.index_cast %add3A_126 : i32 to index
    %get3A_128 = tpu.vector_load %arg7[%get3A_127] {strides = array<i32>} : memref<16384xf32, #tpu.memory_space<vmem>>, vector<16xf32>,
    %add3A_129 = arith.addf %add3A_122, %get3A_128 : vector<16xf32>
    %mul3A_130 = arith.constant 16 : i32
    %mul3A_131 = arith.muli %scan3A_31, %mul3A_130 : i32
    %add3A_132 = arith.constant 14336 : i32
    %add3A_133 = arith.addi %add3A_132, %mul3A_131 : i32
    %get3A_134 = arith.index_cast %add3A_133 : i32 to index
    %get3A_135 = tpu.vector_load %arg7[%get3A_134] {strides = array<i32>} : memref<16384xf32, #tpu.memory_space<vmem>>, vector<16xf32>,
    %add3A_136 = arith.addf %add3A_129, %get3A_135 : vector<16xf32>
    %mul3A_137 = arith.constant 16 : i32
    %mul3A_138 = arith.muli %scan3A_31, %mul3A_137 : i32
    %add3A_139 = arith.constant 15360 : i32
    %add3A_140 = arith.addi %add3A_139, %mul3A_138 : i32
    %get3A_141 = arith.index_cast %add3A_140 : i32 to index
    %get3A_142 = tpu.vector_load %arg7[%get3A_141] {strides = array<i32>} : memref<16384xf32, #tpu.memory_space<vmem>>, vector<16xf32>,
    %add3A_143 = arith.addf %add3A_136, %get3A_142 : vector<16xf32>
    %mul3A_144 = arith.constant 16 : i32
    %mul3A_145 = arith.muli %scan3A_31, %mul3A_144 : i32
    %swap3A_146 = arith.index_cast %mul3A_145 : i32 to index
    %swap3A_147 = tpu.vector_load %arg8[%swap3A_146] {strides = array<i32>} : memref<1024xf32, #tpu.memory_space<vmem>>, vector<16xf32>,
    tpu.vector_store %arg8[%swap3A_146], %add3A_143 {strides = array<i32>} : memref<1024xf32, #tpu.memory_space<vmem>>, vector<16xf32>,
    %scan3A_148 = arith.constant 1 : i32
    "tpu.region"() ({
      %run_scoped3A = tpu.sem_alloc : memref<!tpu.dma_semaphore, #tpu.memory_space<semaphore_mem>>
      %dma_start3A = arith.constant 0 : i32
      %dma_start3A_149 = tpu.memref_slice %arg4[%add3A, %dma_start3A] : memref<32x1024xf32, #tpu.memory_space<hbm>> -> memref<1x1024xf32, #tpu.memory_space<hbm>>
      %dma_start3A_150 = tpu.memref_squeeze %dma_start3A_149 : memref<1x1024xf32, #tpu.memory_space<hbm>> -> memref<1024xf32, #tpu.memory_space<hbm>>
      %dma_start3A_151 = arith.constant 0 : i32
      %dma_start3A_152 = tpu.memref_slice %arg4[%add3A, %dma_start3A_151] : memref<32x1024xf32, #tpu.memory_space<hbm>> -> memref<1x1024xf32, #tpu.memory_space<hbm>>
      %dma_start3A_153 = tpu.memref_squeeze %dma_start3A_152 : memref<1x1024xf32, #tpu.memory_space<hbm>> -> memref<1024xf32, #tpu.memory_space<hbm>>
      tpu.enqueue_dma source(%arg8 : memref<1024xf32, #tpu.memory_space<vmem>>) target(%dma_start3A_153 : memref<1024xf32, #tpu.memory_space<hbm>>) target_semaphore(%run_scoped3A : memref<!tpu.dma_semaphore, #tpu.memory_space<semaphore_mem>>)
      %dma_wait3A = arith.constant 0 : i32
      %dma_wait3A_154 = tpu.memref_slice %arg4[%add3A, %dma_wait3A] : memref<32x1024xf32, #tpu.memory_space<hbm>> -> memref<1x1024xf32, #tpu.memory_space<hbm>>
      %dma_wait3A_155 = tpu.memref_squeeze %dma_wait3A_154 : memref<1x1024xf32, #tpu.memory_space<hbm>> -> memref<1024xf32, #tpu.memory_space<hbm>>
      %dma_wait3A_156 = arith.constant 0 : i32
      %dma_wait3A_157 = tpu.memref_slice %arg4[%add3A, %dma_wait3A_156] : memref<32x1024xf32, #tpu.memory_space<hbm>> -> memref<1x1024xf32, #tpu.memory_space<hbm>>
      %dma_wait3A_158 = tpu.memref_squeeze %dma_wait3A_157 : memref<1x1024xf32, #tpu.memory_space<hbm>> -> memref<1024xf32, #tpu.memory_space<hbm>>
      tpu.wait_dma2 semaphore(%run_scoped3A : memref<!tpu.dma_semaphore, #tpu.memory_space<semaphore_mem>>) src(%arg8 : memref<1024xf32, #tpu.memory_space<vmem>>) dst(%dma_wait3A_158 : memref<1024xf32, #tpu.memory_space<hbm>>)
      tpu.yield
    }) : () -> ()
    return
  }
}

module attributes {stable_mosaic.version = 14 : i64} {
  func.func @_loss_kernel(%arg0: memref<1xf32, #tpu.memory_space<smem>>, %arg1: memref<64x8192xf32, #tpu.memory_space<vmem>>, %arg2: memref<64x8192xi32, #tpu.memory_space<vmem>>, %arg3: memref<1x1xf32, #tpu.memory_space<smem>>) attributes {dimension_semantics = [], scalar_prefetch = 0 : i64, scratch_operands = 0 : i64, tpu.core_type = #tpu.core_type<tc>} {
    %get3A = arith.constant 0 : index
    %get3A_0 = arith.constant 0 : index
    %get3A_1 = vector.load %arg1[%get3A, %get3A_0] : memref<64x8192xf32, #tpu.memory_space<vmem>>, vector<64x8192xf32>
    %get3A_2 = arith.constant 0 : index
    %get3A_3 = arith.constant 0 : index
    %get3A_4 = vector.load %arg2[%get3A_2, %get3A_3] : memref<64x8192xi32, #tpu.memory_space<vmem>>, vector<64x8192xi32>
    %convert_element_type3A = arith.sitofp %get3A_4 : vector<64x8192xi32> to vector<64x8192xf32>
    %get3A_5 = arith.constant 0 : index
    %get3A_6 = memref.load %arg0[%get3A_5] : memref<1xf32, #tpu.memory_space<smem>>
    %neg3A = arith.constant 0.000000e+00 : f32
    %neg3A_7 = vector.broadcast %neg3A : f32 to vector<64x8192xf32>
    %neg3A_8 = arith.subf %neg3A_7, %get3A_1 : vector<64x8192xf32>
    %exp3A = math.exp %neg3A_8 : vector<64x8192xf32>
    %add3A = arith.constant 1.000000e+00 : f32
    %add3A_9 = vector.broadcast %add3A : f32 to vector<64x8192xf32>
    %add3A_10 = arith.addf %add3A_9, %exp3A : vector<64x8192xf32>
    %div3A = arith.constant 1.000000e+00 : f32
    %div3A_11 = vector.broadcast %div3A : f32 to vector<64x8192xf32>
    %div3A_12 = arith.divf %div3A_11, %add3A_10 : vector<64x8192xf32>
    %sub3A = vector.broadcast %get3A_6 : f32 to vector<64x8192xf32>
    %sub3A_13 = arith.subf %sub3A, %div3A_12 : vector<64x8192xf32>
    %div3A_14 = arith.constant 1.000000e-01 : f32
    %div3A_15 = vector.broadcast %div3A_14 : f32 to vector<64x8192xf32>
    %div3A_16 = arith.divf %sub3A_13, %div3A_15 : vector<64x8192xf32>
    %exp3A_17 = math.exp %div3A_16 : vector<64x8192xf32>
    %add3A_18 = arith.constant 1.000000e+00 : f32
    %add3A_19 = vector.broadcast %add3A_18 : f32 to vector<64x8192xf32>
    %add3A_20 = arith.addf %add3A_19, %exp3A_17 : vector<64x8192xf32>
    %div3A_21 = arith.constant 1.000000e+00 : f32
    %div3A_22 = vector.broadcast %div3A_21 : f32 to vector<64x8192xf32>
    %div3A_23 = arith.divf %div3A_22, %add3A_20 : vector<64x8192xf32>
    %jit3A = arith.constant 9.99999996E-13 : f32
    %jit3A_24 = arith.constant 1.000000e+00 : f32
    %max3A = vector.broadcast %jit3A : f32 to vector<64x8192xf32>
    %max3A_25 = arith.maximumf %max3A, %div3A_12 : vector<64x8192xf32>
    %min3A = vector.broadcast %jit3A_24 : f32 to vector<64x8192xf32>
    %min3A_26 = arith.minimumf %min3A, %max3A_25 : vector<64x8192xf32>
    %log3A = math.log %min3A_26 : vector<64x8192xf32>
    %mul3A = arith.mulf %convert_element_type3A, %log3A : vector<64x8192xf32>
    %sub3A_27 = arith.constant 1.000000e+00 : f32
    %sub3A_28 = vector.broadcast %sub3A_27 : f32 to vector<64x8192xf32>
    %sub3A_29 = arith.subf %sub3A_28, %convert_element_type3A : vector<64x8192xf32>
    %sub3A_30 = arith.constant 1.000000e+00 : f32
    %sub3A_31 = vector.broadcast %sub3A_30 : f32 to vector<64x8192xf32>
    %sub3A_32 = arith.subf %sub3A_31, %min3A_26 : vector<64x8192xf32>
    %log3A_33 = math.log %sub3A_32 : vector<64x8192xf32>
    %mul3A_34 = arith.mulf %sub3A_29, %log3A_33 : vector<64x8192xf32>
    %add3A_35 = arith.addf %mul3A, %mul3A_34 : vector<64x8192xf32>
    %neg3A_36 = arith.constant 0.000000e+00 : f32
    %neg3A_37 = vector.broadcast %neg3A_36 : f32 to vector<64x8192xf32>
    %neg3A_38 = arith.subf %neg3A_37, %add3A_35 : vector<64x8192xf32>
    %eq3A = arith.constant 1.000000e+00 : f32
    %eq3A_39 = vector.broadcast %eq3A : f32 to vector<64x8192xf32>
    %eq3A_40 = arith.cmpf oeq, %convert_element_type3A, %eq3A_39 : vector<64x8192xf32>
    %sub3A_41 = arith.constant 1.000000e+00 : f32
    %sub3A_42 = vector.broadcast %sub3A_41 : f32 to vector<64x8192xf32>
    %sub3A_43 = arith.subf %sub3A_42, %div3A_12 : vector<64x8192xf32>
    %select_n3A = arith.select %eq3A_40, %sub3A_43, %div3A_12 : vector<64x8192xi1>, vector<64x8192xf32>
    %mul3A_44 = arith.mulf %select_n3A, %select_n3A : vector<64x8192xf32>
    %mul3A_45 = arith.mulf %mul3A_44, %neg3A_38 : vector<64x8192xf32>
    %reduce_sum3A = vector.shape_cast %convert_element_type3A : vector<64x8192xf32> to vector<1x64x8192xf32>
    %reduce_sum3A_46 = arith.constant dense<0.000000e+00> : vector<1xf32>
    %reduce_sum3A_47 = vector.multi_reduction <add>, %reduce_sum3A, %reduce_sum3A_46 [1, 2] : vector<1x64x8192xf32> to vector<1xf32>
    %reduce_sum3A_48 = vector.shape_cast %reduce_sum3A_47 : vector<1xf32> to vector<1x1x1xf32>
    %reduce_sum3A_49 = vector.extract %reduce_sum3A_48[0, 0, 0] : f32 from vector<1x1x1xf32>
    %reduce_sum3A_50 = vector.shape_cast %div3A_23 : vector<64x8192xf32> to vector<1x64x8192xf32>
    %reduce_sum3A_51 = arith.constant dense<0.000000e+00> : vector<1xf32>
    %reduce_sum3A_52 = vector.multi_reduction <add>, %reduce_sum3A_50, %reduce_sum3A_51 [1, 2] : vector<1x64x8192xf32> to vector<1xf32>
    %reduce_sum3A_53 = vector.shape_cast %reduce_sum3A_52 : vector<1xf32> to vector<1x1x1xf32>
    %reduce_sum3A_54 = vector.extract %reduce_sum3A_53[0, 0, 0] : f32 from vector<1x1x1xf32>
    %mul3A_55 = arith.mulf %div3A_23, %convert_element_type3A : vector<64x8192xf32>
    %reduce_sum3A_56 = vector.shape_cast %mul3A_55 : vector<64x8192xf32> to vector<1x64x8192xf32>
    %reduce_sum3A_57 = arith.constant dense<0.000000e+00> : vector<1xf32>
    %reduce_sum3A_58 = vector.multi_reduction <add>, %reduce_sum3A_56, %reduce_sum3A_57 [1, 2] : vector<1x64x8192xf32> to vector<1xf32>
    %reduce_sum3A_59 = vector.shape_cast %reduce_sum3A_58 : vector<1xf32> to vector<1x1x1xf32>
    %reduce_sum3A_60 = vector.extract %reduce_sum3A_59[0, 0, 0] : f32 from vector<1x1x1xf32>
    %reduce_sum3A_61 = vector.shape_cast %neg3A_38 : vector<64x8192xf32> to vector<1x64x8192xf32>
    %reduce_sum3A_62 = arith.constant dense<0.000000e+00> : vector<1xf32>
    %reduce_sum3A_63 = vector.multi_reduction <add>, %reduce_sum3A_61, %reduce_sum3A_62 [1, 2] : vector<1x64x8192xf32> to vector<1xf32>
    %reduce_sum3A_64 = vector.shape_cast %reduce_sum3A_63 : vector<1xf32> to vector<1x1x1xf32>
    %reduce_sum3A_65 = vector.extract %reduce_sum3A_64[0, 0, 0] : f32 from vector<1x1x1xf32>
    %reduce_sum3A_66 = vector.shape_cast %mul3A_45 : vector<64x8192xf32> to vector<1x64x8192xf32>
    %reduce_sum3A_67 = arith.constant dense<0.000000e+00> : vector<1xf32>
    %reduce_sum3A_68 = vector.multi_reduction <add>, %reduce_sum3A_66, %reduce_sum3A_67 [1, 2] : vector<1x64x8192xf32> to vector<1xf32>
    %reduce_sum3A_69 = vector.shape_cast %reduce_sum3A_68 : vector<1xf32> to vector<1x1x1xf32>
    %reduce_sum3A_70 = vector.extract %reduce_sum3A_69[0, 0, 0] : f32 from vector<1x1x1xf32>
    %sub3A_71 = arith.subf %reduce_sum3A_54, %reduce_sum3A_60 : f32
    %sub3A_72 = arith.subf %reduce_sum3A_49, %reduce_sum3A_60 : f32
    %add3A_73 = arith.constant 1.000000e+00 : f32
    %add3A_74 = arith.addf %reduce_sum3A_60, %add3A_73 : f32
    %mul3A_75 = arith.constant 5.000000e-01 : f32
    %mul3A_76 = arith.mulf %mul3A_75, %sub3A_71 : f32
    %add3A_77 = arith.addf %reduce_sum3A_60, %mul3A_76 : f32
    %mul3A_78 = arith.constant 5.000000e-01 : f32
    %mul3A_79 = arith.mulf %mul3A_78, %sub3A_72 : f32
    %add3A_80 = arith.addf %add3A_77, %mul3A_79 : f32
    %add3A_81 = arith.constant 1.000000e+00 : f32
    %add3A_82 = arith.addf %add3A_80, %add3A_81 : f32
    %div3A_83 = arith.divf %add3A_74, %add3A_82 : f32
    %sub3A_84 = arith.constant 1.000000e+00 : f32
    %sub3A_85 = arith.subf %sub3A_84, %div3A_83 : f32
    %mul3A_86 = arith.constant 5.000000e-01 : f32
    %mul3A_87 = arith.mulf %mul3A_86, %reduce_sum3A_65 : f32
    %div3A_88 = arith.constant 5.242880e+05 : f32
    %div3A_89 = arith.divf %mul3A_87, %div3A_88 : f32
    %add3A_90 = arith.addf %sub3A_85, %div3A_89 : f32
    %mul3A_91 = arith.constant 5.000000e-01 : f32
    %mul3A_92 = arith.mulf %mul3A_91, %reduce_sum3A_70 : f32
    %div3A_93 = arith.constant 5.242880e+05 : f32
    %div3A_94 = arith.divf %mul3A_92, %div3A_93 : f32
    %add3A_95 = arith.addf %add3A_90, %div3A_94 : f32
    %swap3A = arith.constant 0 : index
    %swap3A_96 = arith.constant 0 : index
    %swap3A_97 = memref.load %arg3[%swap3A, %swap3A_96] : memref<1x1xf32, #tpu.memory_space<smem>>
    memref.store %add3A_95, %arg3[%swap3A, %swap3A_96] : memref<1x1xf32, #tpu.memory_space<smem>>
    return
  }
}

</mosaic_0001>

<sc_bundles>
// kernel: kernel.5.cloned.1.call-start
scs
__scs_entry_jumppad:
0x0: {  	(pc) =	sbr.rel $0x88, $3  }
0x1: {  	(tag) =	ssettag $0x0;
	lr =	simm.s32 $0x1  }
0x2: {  	[smem:$0x3F9F] =	sst lr;
	_ =	strace $0xD0000000  }
0x3: {  	_ = 	snop  }
0x4: {  	_ = 	snop  }
0x5: {  	_ = 	snop  }
0x6: {  	_ = 	snop  }
0x7: {  	_ = 	snop  }
__scs_overlays_trampoline_lowered:
0x8: {  	[smem:$0x3FAE] =	sst s0  }
0x9: {  	[smem:$0x3FAF] =	sst s1  }
0xa: {  	[smem:$0x3FB0] =	sst s2  }
0xb: {  	[smem:$0x3FB1] =	sst s3  }
0xc: {  	[smem:$0x3FB2] =	sst s4  }
0xd: {  	[smem:$0x3FB3] =	sst s5  }
0xe: {  	[smem:$0x3FB4] =	sst s6  }
0xf: {  	[smem:$0x3FB5] =	sst s7  }
0x10: {  	[smem:$0x3FB6] =	sst s8  }
0x11: {  	[smem:$0x3FB7] =	sst s9;
	s0 =	simm.s32 @!p0 $0x0  }
0x12: {  	s1 =	sld [smem:$0x3F9D];
	s0 =	simm.s32 @p0 $0x1  }
0x13: {  	[smem:$0x3FB8] =	sst s0;
	s0 =	simm.s32 @!p1 $0x0  }
0x14: {  	s2 =	sld [smem:$0x3F9C];
	s0 =	simm.s32 @p1 $0x1  }
0x15: {  	[smem:$0x3FB9] =	sst s0;
	s0 =	simm.s32 @!p2 $0x0  }
0x16: {  	s3 =	sld [smem:$0x3FDB];
	s0 =	simm.s32 @p2 $0x1  }
0x17: {  	s4 =	simm.s32 $0x1BF5;
	[smem:$0x3FBB] =	sst s0  }
0x18: {  	s0 =	sld [smem:$0x3F9E];
	_ =	swait.ge [sflag:s4], $0x0  }
0x19: {  	s7 =	sld [smem:$0x3F9F]  }
0x1a: {  	s8 =	sadd.s32 $0xFFFFE003, lr  }
0x1b: {  	s9 =	sadd.s32 $0xFFFFFEF7, lr;
	s5 =	simm.s32 $0xFFFFFFFF;
	p2 =	slt.u32 s8, $0xFFFFF086  }
0x1c: {  	p1 =	slt.u32 s9, $0xF7A;
	s5 =	simm.s32 @!p2 $0x0  }
0x1d: {  	s5 =	simm.s32 @p1 $0x1;
	p0 =	seq.s32 s7, s2  }
0x1e: {  	s7 =	smul.u32 @!p0 $0xF7A, s2;
	p2 =	seq.s32 @!p0 s5, $0x0  }
0x1f: {  	s9 =	smul.u32 $0xF7A, s1;
	s8 =	simm.s32 @!p0 $0x1BF5;
	p2 =	por !p2, p0  }
0x20: {  	[sflag:s8] =	ssyncset.s32 @!p0 $0xFFFFF086;
	s6 =	sadd.s32 @!p0 s3, s7;
	s7 =	simm.s32 @!p0 $0x108  }
0x21: {  	s3 =	sadd.s32 s3, s9;
	s6 =	sadd.s32 @!p0 $0x88, s6;
	s7 =	simm.s32 @p2 $0x1082  }
0x22: {  	[simem:s7], [sflag:s8] =	dma.local @!p0 [hbm:s6], $0xF7A  }
0x23: {  	s9 =	sor.u32 $0xD0000000, s2;
	s6 =	simm.s32 $0x108;
	_ =	swait.ge @!p0 [sflag:s8], $0x0  }
0x24: {  	s3 =	sadd.s32 $0x88, s3;
	s6 =	simm.s32 @!p1 $0x1082;
	[sflag:s4] =	ssyncset.s32 $0xFFFFF086  }
0x25: {  	[simem:s6], [sflag:s4] =	dma.local [hbm:s3], $0xF7A  }
0x26: {  	[smem:$0x3F9F] =	sst s1;
	(tag) =	ssettag s2;
	_ =	strace s9  }
0x27: {  	s1 =	sld [smem:$0x3FAF]  }
0x28: {  	s2 =	sld [smem:$0x3FB0]  }
0x29: {  	s4 =	sld [smem:$0x3FB2]  }
0x2a: {  	p0 =	seq.s32 s5, $0x0;
	s5 =	sld [smem:$0x3FB3]  }
0x2b: {  	s6 =	sld [smem:$0x3FB4]  }
0x2c: {  	s7 =	sld [smem:$0x3FB5]  }
0x2d: {  	s3 =	simm.s32 $0x108;
	s8 =	sld [smem:$0x3FB6]  }
0x2e: {  	s3 =	simm.s32 @!p0 $0x1082;
	s9 =	sld [smem:$0x3FB7]  }
0x2f: {  	lr =	sadd.s32 s0, s3;
	s0 =	sld [smem:$0x3FAE]  }
0x30: {  	s3 =	sld [smem:$0x3FB1]  }
0x31: {  	[smem:$0x3FBA] =	sst s10  }
0x32: {  	s10 =	sld [smem:$0x3FB8];
	_ =	sdelay $0x3  }
0x33: {  	p0 =	seq.s32 s10, $0x1;
	s10 =	sld [smem:$0x3FBA];
	_ =	sdelay $0x3  }
0x34: {  	[smem:$0x3FBA] =	sst s10  }
0x35: {  	s10 =	sld [smem:$0x3FB9];
	_ =	sdelay $0x3  }
0x36: {  	p1 =	seq.s32 s10, $0x1;
	s10 =	sld [smem:$0x3FBA];
	_ =	sdelay $0x3  }
0x37: {  	[smem:$0x3FBA] =	sst s10  }
0x38: {  	s10 =	sld [smem:$0x3FBB]  }
0x39: {  	_ = 	snop;
	(pc) =	sbr.ind lr, $3  }
0x3a: {  	_ = 	snop  }
0x3b: {  	_ = 	snop  }
0x3c: {  	p2 =	seq.s32 s10, $0x1;
	s10 =	sld [smem:$0x3FBA]  }
0x3d: {  	_ =	shalt  }
0x3e: {  	_ =	shalt  }
0x3f: {  	_ =	shalt  }
0x40: {  	_ =	shalt  }
0x41: {  	_ =	shalt  }
0x42: {  	_ =	shalt  }
0x43: {  	_ =	shalt  }
0x44: {  	_ =	shalt  }
0x45: {  	_ =	shalt  }
0x46: {  	_ =	shalt  }
0x47: {  	_ =	shalt  }
0x48: {  	_ =	shalt  }
0x49: {  	_ =	shalt  }
0x4a: {  	_ =	shalt  }
0x4b: {  	_ =	shalt  }
0x4c: {  	_ =	shalt  }
0x4d: {  	_ =	shalt  }
0x4e: {  	_ =	shalt  }
0x4f: {  	_ =	shalt  }
0x50: {  	_ =	shalt  }
0x51: {  	_ =	shalt  }
0x52: {  	_ =	shalt  }
0x53: {  	_ =	shalt  }
0x54: {  	_ =	shalt  }
0x55: {  	_ =	shalt  }
0x56: {  	_ =	shalt  }
0x57: {  	_ =	shalt  }
0x58: {  	_ =	shalt  }
0x59: {  	_ =	shalt  }
0x5a: {  	_ =	shalt  }
0x5b: {  	_ =	shalt  }
0x5c: {  	_ =	shalt  }
0x5d: {  	_ =	shalt  }
0x5e: {  	_ =	shalt  }
0x5f: {  	_ =	shalt  }
0x60: {  	_ =	shalt  }
0x61: {  	_ =	shalt  }
0x62: {  	_ =	shalt  }
0x63: {  	_ =	shalt  }
0x64: {  	_ =	shalt  }
0x65: {  	_ =	shalt  }
0x66: {  	_ =	shalt  }
0x67: {  	_ =	shalt  }
0x68: {  	_ =	shalt  }
0x69: {  	_ =	shalt  }
0x6a: {  	_ =	shalt  }
0x6b: {  	_ =	shalt  }
0x6c: {  	_ =	shalt  }
0x6d: {  	_ =	shalt  }
0x6e: {  	_ =	shalt  }
0x6f: {  	_ =	shalt  }
0x70: {  	_ =	shalt  }
0x71: {  	_ =	shalt  }
0x72: {  	_ =	shalt  }
0x73: {  	_ =	shalt  }
0x74: {  	_ =	shalt  }
0x75: {  	_ =	shalt  }
0x76: {  	_ =	shalt  }
0x77: {  	_ =	shalt  }
0x78: {  	_ =	shalt  }
0x79: {  	_ =	shalt  }
0x7a: {  	_ =	shalt  }
0x7b: {  	_ =	shalt  }
0x7c: {  	_ =	shalt  }
0x7d: {  	_ =	shalt  }
0x7e: {  	_ =	shalt  }
0x7f: {  	_ =	shalt  }
0x80: {  	_ =	shalt  }
0x81: {  	_ =	shalt  }
0x82: {  	_ =	shalt  }
0x83: {  	_ =	shalt  }
0x84: {  	_ =	shalt  }
0x85: {  	_ =	shalt  }
0x86: {  	_ =	shalt  }
0x87: {  	_ =	shalt  }
.Lfunc_end0:
.L_simem_size_0:
called_computation_lowered:
.L_overlay_start_0:
0x88: {  	s2 =	sld [smem:$0x3FD9]  }
0x89: {  	s3 =	sld [smem:$0x3FFE];
	_ =	sdelay $0x1  }
0x8a: {  	s1 =	srdreg.scid  }
0x8b: {  	s0 =	sand.u32 $0x1, s1  }
0x8c: {  	s17 =	sshll.u32 s0, $0xA;
	s2 =	sadd.s32 s3, s2  }
0x8d: {  	s2 =	sadd.s32 s2, s17  }
0x8e: {  	[smem:$0x3FC6] =	sst s2  }
0x8f: {  	_ = 	snop  }
0x90: {  	s2 =	sld [smem:$0x3FD0];
	(tm) =	ssettm $0x1  }
0x91: {  	s18 =	sld [smem:$0x3FFB];
	_ =	sdelay $0x3  }
0x92: {  	_ =	strace s18  }
0x93: {  	s3 =	sld [smem:$0x3FFC];
	_ =	sdelay $0x3  }
0x94: {  	_ =	strace s3  }
0x95: {  	s3 =	sld [smem:$0x3FFD];
	_ =	sdelay $0x3  }
0x96: {  	_ =	strace s3  }
0x97: {  	_ =	strace $0x8FFFFFFF  }
0x98: {  	s19 =	sld [smem:$0x3FDB];
	_ =	sdelay $0x1  }
0x99: {  	s4 =	simm.s32 $_scs_section_size  }
0x9a: {  	s5 =	simm.s32 $_size__tile_overlayer_lowered;
	s6 =	simm.s32 $_tile_overlayer_lowered  }
0x9b: {  	s22 =	simm.s32 $0x1BFF;
	s21 =	sshll.u32 s6, $0x1;
	s3 =	sadd.s32 s4, s19  }
0x9c: {  	s7 =	simm.s32 $0x0;
	s20 =	sshll.u32 s5, $0x1;
	s5 =	sadd.s32 s21, s3  }
0x9d: {  	[timem:s7], [sflag:s22] =	dma.local [hbm:s5], s20  }
0x9e: {  	_ =	swait.ge [sflag:s22], s20  }
0x9f: {  	s4 =	ssub.s32 $0x0, s20;
	[sflag:s22] =	ssyncset.done $0x0  }
0xa0: {  	[sflag:s22] =	ssyncadd.s32 s4;
	_ =	sdelay $0x1  }
0xa1: {  	s23 =	simm.s32 $0x1B8B  }
0xa2: {  	_ =	swait.ge [sflag:s23], $0x1  }
0xa3: {  	[sflag:s23] =	ssyncset.done $0x0  }
0xa4: {  	s25 =	simm.s32 $0x1B8E;
	s24 =	sld [smem:$0x3FFE];
	[sflag:s23] =	ssyncadd.s32 $0xFFFFFFFF  }
0xa5: {  	s26 =	simm.s32 $execute0_lowered;
	[smem:$0x3FD2] =	sst s25  }
0xa6: {  	s5 =	sshll.u32 s26, $0x1;
	_ =	strace $0x80000046;
	[dreg:$0x1] =	wrdreg $0xFFFFFFFF  }
0xa7: {  	s28 =	simm.s32 $_size_execute0_lowered;
	s3 =	sadd.s32 s3, s5;
	[dreg:$0x0] =	wrdreg $0x0  }
0xa8: {  	s5 =	sshll.u32 s28, $0x1;
	[dreg:$0x2] =	wrdreg s3  }
0xa9: {  	[dreg:$0x3] =	wrdreg s5  }
0xaa: {  	[dreg:$0x4] =	wrdreg $0xC0  }
0xab: {  	_ =	task [dreg:s7], $0x5FFFF  }
0xac: {  	[dreg:$0x1] =	wrdreg $0xFFFFFFFF  }
0xad: {  	[dreg:$0x0] =	wrdreg $0x60  }
0xae: {  	[dreg:$0x2] =	wrdreg s24  }
0xaf: {  	[dreg:$0x3] =	wrdreg s2  }
0xb0: {  	[dreg:$0x4] =	wrdreg $0x9  }
0xb1: {  	_ =	task.clear_ibuf [dreg:s7], $0x5FFFF;
	_ =	strace $0x90000046  }
0xb2: {  	s29 =	simm.s32 $0x9;
	_ =	strace $0x80000048  }
0xb3: {  	_ =	swait.ge [sflag:s29], $0x1  }
0xb4: {  	[sflag:s29] =	ssyncadd.s32 $0xFFFFFFFF  }
0xb5: {  	_ =	strace $0x90000048  }
0xb6: {  	_ =	sfence  }
0xb7: {  	s30 =	sld [smem:$0x0];
	_ =	sdelay $0x2  }
0xb8: {  	s31 =	sshll.u32 s1, $0xD;
	s1 =	sshrl.u32 s1, $0x2  }
0xb9: {  	s3 =	sand.u32 $0x4000, s31;
	s1 =	sadd.s32 s1, s30  }
0xba: {  	s0 =	sor.u32 s3, s0;
	s1 =	sshll.u32 s1, $0x11  }
0xbb: {  	s0 =	sor.u32 s1, s0  }
0xbc: {  	s0 =	sadd.s32 $0x8F2B, s0  }
0xbd: {  	[sflag:s0] =	ssyncadd.remote.s32 $0x1  }
0xbe: {  	_ =	sfence.sel $0xFFFF  }
0xbf: {  	[dreg:$0x0] =	wrdreg $0xFFFFFFFF;
	(pc) =	sbr.abs _section_cstart, $3  }
0xc0: {  	[dreg:$0x1] =	wrdreg $0xFFFFFFFF  }
0xc1: {  	_ =	task.clear_ibuf [dreg:s7], $0x2FFFF;
	_ =	strace $0x9FFFFFFF  }
0xc2: {  	(tm) =	ssettm $0x7FFFFFFF  }
0xc3: {  	_ =	shalt  }
tec
execute0_lowered:
.L_overlay_start_1:
0x0: {  	(tag) =	ssettag $0x1  }
0x1: {  	s8 =	rddreg [dreg:$0x0]  }
0x2: {  	s0 =	stileid.u32;
	s1 =	srdreg.scid  }
0x3: {  	s2 =	rddreg [dreg:$0x1];
	s9 =	sand.u32 $0x1, s1;
	s4 =	sshll.u32 s0, $0x1  }
0x4: {  	s3 =	simm.s32 $0x0;
	s1 =	rddreg [dreg:$0x2];
	s10 =	sor.u32 s9, s4  }
0x5: {  	[smem:$0x7FF] =	sst s3;
	s4 =	sshll.u32 s10, $0xB  }
0x6: {  	_ =	strace $0x80000047;
	s5 =	sadd.s32 s8, s4;
	s4 =	simm.s32 $0x1  }
0x7: {  	[tilespmem:s3], [sflag:$0x1] =	stream.linear.gather [hbm4b:s5+s3], $0x10, $0x38;
	[tilespmem:$0x8480] =	vst v63  }
0x8: {  	_ =	swait.ge [sflag:s4], $0x10  }
0x9: {  	[sflag:s4] =	ssyncset.done $0x0  }
0xa: {  	s6 =	simm.s32 $0x4000;
	[sflag:s4] =	ssyncadd.s32 $0xFFFFFFF0  }
0xb: {  	[tilespmem:s6], [sflag:$0x1] =	stream.linear.gather [hbm4b:s2+s3], $0x80, $0x38;
	[tilespmem:$0x8480] =	vst v63  }
0xc: {  	_ =	swait.ge [sflag:s4], $0x80  }
0xd: {  	[sflag:s4] =	ssyncset.done $0x0  }
0xe: {  	[sflag:s4] =	ssyncadd.s32 $0xFFFFFF80  }
0xf: {  	v0 =	vld [tilespmem:$0x0];
	_ =	sdelay $0x4  }
0x10: {  	vm0 =	vlt.s32 v0, $0x0;
	v1 =	vxor.u32 $0xFFFFFFFF, v0;
	v0 =	vor.u32 $0x80000000, v0  }
0x11: {  	v2 =	vlaneseq.u32;
	v1 =	vsel vm0, v1, v0  }
0x12: {  	v0 =	vmul.u32 $0x400, v2;
	v1 =	vshrl.u32 v1, $0x16  }
0x13: {  	v2 =	vand.u32 $0x380, v1  }
0x14: {  	v1 =	vand.u32 $0x7F, v1;
	v2 =	vor.u32 v0, v2  }
0x15: {  	v3 =	vor.u32 v1, v2;
	_ =	sdelay $0x2  }
0x16: {  	v1 =	vimm.f32 $0.0e+00  }
0x17: {  	s7 =	simm.s32 $0x4080;
	v2 =	vimm.f32 $1.000000000e+00;
	[tilespmem:$0x4080] =	vst v1  }
0x18: {  	[tilespmem:v3+s7+$0x0] =	vst.idx.add.f32.msk $0xffff, v2  }
0x19: {  	v3 =	vld [tilespmem:$0x4080];
	_ =	sdelay $0x1  }
0x1a: {  	v4 =	vld [tilespmem:$0x4480];
	_ =	sdelay $0x1  }
0x1b: {  	v5 =	vld [tilespmem:$0x4880]  }
0x1c: {  	v3 =	vadd.f32 $0.0e+00, v3  }
0x1d: {  	v6 =	vld [tilespmem:$0x4C80]  }
0x1e: {  	v3 =	vadd.f32 v4, v3  }
0x1f: {  	v52 =	vld [tilespmem:$0x5080]  }
0x20: {  	v3 =	vadd.f32 v5, v3  }
0x21: {  	v53 =	vld [tilespmem:$0x5480]  }
0x22: {  	v3 =	vadd.f32 v6, v3  }
0x23: {  	v54 =	vld [tilespmem:$0x5880]  }
0x24: {  	v3 =	vadd.f32 v52, v3  }
0x25: {  	v55 =	vld [tilespmem:$0x5C80]  }
0x26: {  	v3 =	vadd.f32 v53, v3  }
0x27: {  	v56 =	vld [tilespmem:$0x6080]  }
0x28: {  	v3 =	vadd.f32 v54, v3  }
0x29: {  	v57 =	vld [tilespmem:$0x6480]  }
0x2a: {  	v3 =	vadd.f32 v55, v3  }
0x2b: {  	v58 =	vld [tilespmem:$0x6880]  }
0x2c: {  	v3 =	vadd.f32 v56, v3  }
0x2d: {  	v59 =	vld [tilespmem:$0x6C80]  }
0x2e: {  	v3 =	vadd.f32 v57, v3  }
0x2f: {  	v60 =	vld [tilespmem:$0x7080]  }
0x30: {  	v3 =	vadd.f32 v58, v3  }
0x31: {  	v61 =	vld [tilespmem:$0x7480]  }
0x32: {  	v3 =	vadd.f32 v59, v3  }
0x33: {  	v62 =	vld [tilespmem:$0x7880]  }
0x34: {  	v3 =	vadd.f32 v60, v3  }
0x35: {  	v63 =	vld [tilespmem:$0x7C80]  }
0x36: {  	s9 =	ssub.s32 $0x2, s9;
	v3 =	vadd.f32 v61, v3  }
0x37: {  	s31 =	sshrl.u32 s9, $0x1  }
0x38: {  	s11 =	sshll.u32 s0, $0x8;
	s9 =	ssub.s32 s9, s31;
	v3 =	vadd.f32 v62, v3  }
0x39: {  	s11 =	sand.u32 $0xC00, s11;
	s10 =	sshll.u32 s10, $0x4;
	s12 =	smax.u32 s9, $0x1  }
0x3a: {  	s8 =	sadd.s32 s11, s8;
	s10 =	sand.u32 $0x70, s10;
	p0 =	sne.s32 s12, $0x1;
	v3 =	vadd.f32 v63, v3  }
.Ltmp0:
0x3b: {  	s11 =	simm.s32 $0x8080;
	s8 =	sadd.s32 s10, s8;
	(pc) =	sbr.rel @!p0 .LBB2_2-.Ltmp0, $4  }
0x3c: {  	s9 =	simm.s32 $0x80;
	s10 =	simm.s32 $0x400;
	s8 =	sadd.s32 $0x10000, s8;
	[tilespmem:$0x8080] =	vst v3  }
0x3d: {  	[hbm4b:s8+s9] =	stream.strided.scatter [tilespmem:s11], [sflag:$0x1], $0x400, s10, s9, $0x38;
	[tilespmem:$0x8480] =	vst v63  }
0x3e: {  	_ =	swait.ge [sflag:s4], $0x400  }
0x3f: {  	s12 =	sadd.s32 $0xFFFFFFFF, s12;
	[sflag:s4] =	ssyncset.done $0x0  }
.LBB2_1:
0x40: {  	p0 =	sne.s32 s12, $0x1;
	s12 =	sadd.s32 $0xFFFFFFFF, s12;
	[sflag:s4] =	ssyncadd.s32 $0xFFFFFC00  }
0x41: {  	[tilespmem:s3], [sflag:$0x1] =	stream.linear.gather [hbm4b:s5+s3], $0x10, $0x38;
	[tilespmem:$0x8480] =	vst v63  }
0x42: {  	_ =	swait.ge [sflag:s4], $0x10  }
0x43: {  	[sflag:s4] =	ssyncset.done $0x0  }
0x44: {  	[sflag:s4] =	ssyncadd.s32 $0xFFFFFFF0  }
0x45: {  	[tilespmem:s6], [sflag:$0x1] =	stream.linear.gather [hbm4b:s2+s3], $0x80, $0x38;
	[tilespmem:$0x8480] =	vst v63  }
0x46: {  	_ =	swait.ge [sflag:s4], $0x80  }
0x47: {  	[sflag:s4] =	ssyncset.done $0x0  }
0x48: {  	[sflag:s4] =	ssyncadd.s32 $0xFFFFFF80  }
0x49: {  	v3 =	vld [tilespmem:$0x0];
	_ =	sdelay $0x4  }
0x4a: {  	vm0 =	vlt.s32 v3, $0x0;
	v4 =	vxor.u32 $0xFFFFFFFF, v3;
	v3 =	vor.u32 $0x80000000, v3  }
0x4b: {  	v3 =	vsel vm0, v4, v3  }
0x4c: {  	v3 =	vshrl.u32 v3, $0x16  }
0x4d: {  	v4 =	vand.u32 $0x380, v3  }
0x4e: {  	v3 =	vand.u32 $0x7F, v3;
	v4 =	vor.u32 v0, v4  }
0x4f: {  	v3 =	vor.u32 v3, v4;
	_ =	sdelay $0x3  }
0x50: {  	[tilespmem:$0x4080] =	vst v1  }
0x51: {  	[tilespmem:v3+s7+$0x0] =	vst.idx.add.f32.msk $0xffff, v2  }
0x52: {  	v3 =	vld [tilespmem:$0x4080]  }
0x53: {  	v4 =	vld [tilespmem:$0x4480]  }
0x54: {  	v5 =	vld [tilespmem:$0x4880]  }
0x55: {  	v6 =	vld [tilespmem:$0x4C80]  }
0x56: {  	v7 =	vld [tilespmem:$0x5080]  }
0x57: {  	v3 =	vadd.f32 $0.0e+00, v3;
	v8 =	vld [tilespmem:$0x5480]  }
0x58: {  	v9 =	vld [tilespmem:$0x5880]  }
0x59: {  	v3 =	vadd.f32 v4, v3;
	v4 =	vld [tilespmem:$0x5C80]  }
0x5a: {  	v10 =	vld [tilespmem:$0x6080]  }
0x5b: {  	v3 =	vadd.f32 v5, v3;
	v5 =	vld [tilespmem:$0x6480]  }
0x5c: {  	v11 =	vld [tilespmem:$0x6880]  }
0x5d: {  	v3 =	vadd.f32 v6, v3;
	v6 =	vld [tilespmem:$0x6C80]  }
0x5e: {  	v12 =	vld [tilespmem:$0x7080]  }
0x5f: {  	v3 =	vadd.f32 v7, v3;
	v7 =	vld [tilespmem:$0x7480]  }
0x60: {  	v13 =	vld [tilespmem:$0x7880]  }
0x61: {  	v3 =	vadd.f32 v8, v3;
	v8 =	vld [tilespmem:$0x7C80];
	_ =	sdelay $0x1  }
0x62: {  	v3 =	vadd.f32 v9, v3;
	_ =	sdelay $0x1  }
0x63: {  	v3 =	vadd.f32 v4, v3;
	_ =	sdelay $0x1  }
0x64: {  	v3 =	vadd.f32 v10, v3;
	_ =	sdelay $0x1  }
0x65: {  	v3 =	vadd.f32 v5, v3;
	_ =	sdelay $0x1  }
0x66: {  	v3 =	vadd.f32 v11, v3;
	_ =	sdelay $0x1  }
0x67: {  	v3 =	vadd.f32 v6, v3;
	_ =	sdelay $0x1  }
0x68: {  	v3 =	vadd.f32 v12, v3;
	_ =	sdelay $0x1  }
0x69: {  	v3 =	vadd.f32 v7, v3;
	_ =	sdelay $0x1  }
0x6a: {  	v3 =	vadd.f32 v13, v3;
	_ =	sdelay $0x1  }
0x6b: {  	v3 =	vadd.f32 v8, v3  }
.Ltmp1:
0x6c: {  	(pc) =	sbr.rel @p0 .LBB2_1-.Ltmp1, $4  }
0x6d: {  	[tilespmem:$0x8080] =	vst v3  }
0x6e: {  	[hbm4b:s8+s9] =	stream.strided.scatter [tilespmem:s11], [sflag:$0x1], $0x400, s10, s9, $0x38;
	[tilespmem:$0x8480] =	vst v63  }
0x6f: {  	_ =	swait.ge [sflag:s4], $0x400  }
0x70: {  	[sflag:s4] =	ssyncset.done $0x0  }
.LBB2_2:
0x71: {  	[sflag:s4] =	ssyncadd.s32 $0xFFFFFC00  }
0x72: {  	_ =	sfence.sel $0x180000  }
0x73: {  	[bflag:$0x0] =	sbarrier.arrive $0xFFFF  }
0x74: {  	p0 =	sne.s32 s0, $0x0;
	_ =	strace $0x90000047  }
0x75: {  	s0 =	sadd.s32 @!p0 $0x100000, s1;
	[bflag:$0x2] =	sbarrier.arrive $0xFFFF  }
0x76: {  	[sflag:s0] =	ssyncadd.tile.s32 @!p0 $0x1;
	_ =	shalt  }
.Lfunc_end2:
_tile_overlayer_lowered:
.L_overlay_start_2:
0x77: {  	(tag) =	ssettag $0x2  }
0x78: {  	s0 =	rddreg [dreg:$0x0];
	s2 =	stileid.u32  }
0x79: {  	s1 =	rddreg [dreg:$0x1];
	p0 =	sne.s32 s2, $0x0  }
0x7a: {  	s3 =	rddreg [dreg:$0x2];
	[bflag:$0x3] =	sbarrier.arrive $0xFFFF;
	s2 =	simm.s32 @!p0 $0x1C01  }
0x7b: {  	[timem:s3], [sflag:s2] =	dma.local @!p0 [hbm:s0], s1  }
0x7c: {  	s0 =	simm.s32 @!p0 $0x1  }
0x7d: {  	_ =	swait.ge @!p0 [sflag:s0], s1  }
0x7e: {  	s1 =	ssub.s32 @!p0 $0x0, s1;
	[sflag:s0] =	ssyncset.done @!p0 $0x0  }
0x7f: {  	[sflag:s0] =	ssyncadd.s32 @!p0 s1  }
0x80: {  	[bflag:$0x3] =	sbarrier.arrive $0xFFFF  }
0x81: {  	_ =	shalt  }

// kernel: kernel.8.cloned.1.call-start
scs
__scs_entry_jumppad:
0x0: {  	(pc) =	sbr.rel $0x88, $3  }
0x1: {  	(tag) =	ssettag $0x0;
	lr =	simm.s32 $0x1  }
0x2: {  	[smem:$0x3F9F] =	sst lr;
	_ =	strace $0xD0000000  }
0x3: {  	_ = 	snop  }
0x4: {  	_ = 	snop  }
0x5: {  	_ = 	snop  }
0x6: {  	_ = 	snop  }
0x7: {  	_ = 	snop  }
__scs_overlays_trampoline_lowered:
0x8: {  	[smem:$0x3FAE] =	sst s0  }
0x9: {  	[smem:$0x3FAF] =	sst s1  }
0xa: {  	[smem:$0x3FB0] =	sst s2  }
0xb: {  	[smem:$0x3FB1] =	sst s3  }
0xc: {  	[smem:$0x3FB2] =	sst s4  }
0xd: {  	[smem:$0x3FB3] =	sst s5  }
0xe: {  	[smem:$0x3FB4] =	sst s6  }
0xf: {  	[smem:$0x3FB5] =	sst s7  }
0x10: {  	[smem:$0x3FB6] =	sst s8  }
0x11: {  	[smem:$0x3FB7] =	sst s9;
	s0 =	simm.s32 @!p0 $0x0  }
0x12: {  	s1 =	sld [smem:$0x3F9D];
	s0 =	simm.s32 @p0 $0x1  }
0x13: {  	[smem:$0x3FB8] =	sst s0;
	s0 =	simm.s32 @!p1 $0x0  }
0x14: {  	s2 =	sld [smem:$0x3F9C];
	s0 =	simm.s32 @p1 $0x1  }
0x15: {  	[smem:$0x3FB9] =	sst s0;
	s0 =	simm.s32 @!p2 $0x0  }
0x16: {  	s3 =	sld [smem:$0x3FDB];
	s0 =	simm.s32 @p2 $0x1  }
0x17: {  	s4 =	simm.s32 $0x1BF5;
	[smem:$0x3FBB] =	sst s0  }
0x18: {  	s0 =	sld [smem:$0x3F9E];
	_ =	swait.ge [sflag:s4], $0x0  }
0x19: {  	s7 =	sld [smem:$0x3F9F]  }
0x1a: {  	s8 =	sadd.s32 $0xFFFFE003, lr  }
0x1b: {  	s9 =	sadd.s32 $0xFFFFFEF7, lr;
	s5 =	simm.s32 $0xFFFFFFFF;
	p2 =	slt.u32 s8, $0xFFFFF086  }
0x1c: {  	p1 =	slt.u32 s9, $0xF7A;
	s5 =	simm.s32 @!p2 $0x0  }
0x1d: {  	s5 =	simm.s32 @p1 $0x1;
	p0 =	seq.s32 s7, s2  }
0x1e: {  	s7 =	smul.u32 @!p0 $0xF7A, s2;
	p2 =	seq.s32 @!p0 s5, $0x0  }
0x1f: {  	s9 =	smul.u32 $0xF7A, s1;
	s8 =	simm.s32 @!p0 $0x1BF5;
	p2 =	por !p2, p0  }
0x20: {  	[sflag:s8] =	ssyncset.s32 @!p0 $0xFFFFF086;
	s6 =	sadd.s32 @!p0 s3, s7;
	s7 =	simm.s32 @!p0 $0x108  }
0x21: {  	s3 =	sadd.s32 s3, s9;
	s6 =	sadd.s32 @!p0 $0x88, s6;
	s7 =	simm.s32 @p2 $0x1082  }
0x22: {  	[simem:s7], [sflag:s8] =	dma.local @!p0 [hbm:s6], $0xF7A  }
0x23: {  	s9 =	sor.u32 $0xD0000000, s2;
	s6 =	simm.s32 $0x108;
	_ =	swait.ge @!p0 [sflag:s8], $0x0  }
0x24: {  	s3 =	sadd.s32 $0x88, s3;
	s6 =	simm.s32 @!p1 $0x1082;
	[sflag:s4] =	ssyncset.s32 $0xFFFFF086  }
0x25: {  	[simem:s6], [sflag:s4] =	dma.local [hbm:s3], $0xF7A  }
0x26: {  	[smem:$0x3F9F] =	sst s1;
	(tag) =	ssettag s2;
	_ =	strace s9  }
0x27: {  	s1 =	sld [smem:$0x3FAF]  }
0x28: {  	s2 =	sld [smem:$0x3FB0]  }
0x29: {  	s4 =	sld [smem:$0x3FB2]  }
0x2a: {  	p0 =	seq.s32 s5, $0x0;
	s5 =	sld [smem:$0x3FB3]  }
0x2b: {  	s6 =	sld [smem:$0x3FB4]  }
0x2c: {  	s7 =	sld [smem:$0x3FB5]  }
0x2d: {  	s3 =	simm.s32 $0x108;
	s8 =	sld [smem:$0x3FB6]  }
0x2e: {  	s3 =	simm.s32 @!p0 $0x1082;
	s9 =	sld [smem:$0x3FB7]  }
0x2f: {  	lr =	sadd.s32 s0, s3;
	s0 =	sld [smem:$0x3FAE]  }
0x30: {  	s3 =	sld [smem:$0x3FB1]  }
0x31: {  	[smem:$0x3FBA] =	sst s10  }
0x32: {  	s10 =	sld [smem:$0x3FB8];
	_ =	sdelay $0x3  }
0x33: {  	p0 =	seq.s32 s10, $0x1;
	s10 =	sld [smem:$0x3FBA];
	_ =	sdelay $0x3  }
0x34: {  	[smem:$0x3FBA] =	sst s10  }
0x35: {  	s10 =	sld [smem:$0x3FB9];
	_ =	sdelay $0x3  }
0x36: {  	p1 =	seq.s32 s10, $0x1;
	s10 =	sld [smem:$0x3FBA];
	_ =	sdelay $0x3  }
0x37: {  	[smem:$0x3FBA] =	sst s10  }
0x38: {  	s10 =	sld [smem:$0x3FBB]  }
0x39: {  	_ = 	snop;
	(pc) =	sbr.ind lr, $3  }
0x3a: {  	_ = 	snop  }
0x3b: {  	_ = 	snop  }
0x3c: {  	p2 =	seq.s32 s10, $0x1;
	s10 =	sld [smem:$0x3FBA]  }
0x3d: {  	_ =	shalt  }
0x3e: {  	_ =	shalt  }
0x3f: {  	_ =	shalt  }
0x40: {  	_ =	shalt  }
0x41: {  	_ =	shalt  }
0x42: {  	_ =	shalt  }
0x43: {  	_ =	shalt  }
0x44: {  	_ =	shalt  }
0x45: {  	_ =	shalt  }
0x46: {  	_ =	shalt  }
0x47: {  	_ =	shalt  }
0x48: {  	_ =	shalt  }
0x49: {  	_ =	shalt  }
0x4a: {  	_ =	shalt  }
0x4b: {  	_ =	shalt  }
0x4c: {  	_ =	shalt  }
0x4d: {  	_ =	shalt  }
0x4e: {  	_ =	shalt  }
0x4f: {  	_ =	shalt  }
0x50: {  	_ =	shalt  }
0x51: {  	_ =	shalt  }
0x52: {  	_ =	shalt  }
0x53: {  	_ =	shalt  }
0x54: {  	_ =	shalt  }
0x55: {  	_ =	shalt  }
0x56: {  	_ =	shalt  }
0x57: {  	_ =	shalt  }
0x58: {  	_ =	shalt  }
0x59: {  	_ =	shalt  }
0x5a: {  	_ =	shalt  }
0x5b: {  	_ =	shalt  }
0x5c: {  	_ =	shalt  }
0x5d: {  	_ =	shalt  }
0x5e: {  	_ =	shalt  }
0x5f: {  	_ =	shalt  }
0x60: {  	_ =	shalt  }
0x61: {  	_ =	shalt  }
0x62: {  	_ =	shalt  }
0x63: {  	_ =	shalt  }
0x64: {  	_ =	shalt  }
0x65: {  	_ =	shalt  }
0x66: {  	_ =	shalt  }
0x67: {  	_ =	shalt  }
0x68: {  	_ =	shalt  }
0x69: {  	_ =	shalt  }
0x6a: {  	_ =	shalt  }
0x6b: {  	_ =	shalt  }
0x6c: {  	_ =	shalt  }
0x6d: {  	_ =	shalt  }
0x6e: {  	_ =	shalt  }
0x6f: {  	_ =	shalt  }
0x70: {  	_ =	shalt  }
0x71: {  	_ =	shalt  }
0x72: {  	_ =	shalt  }
0x73: {  	_ =	shalt  }
0x74: {  	_ =	shalt  }
0x75: {  	_ =	shalt  }
0x76: {  	_ =	shalt  }
0x77: {  	_ =	shalt  }
0x78: {  	_ =	shalt  }
0x79: {  	_ =	shalt  }
0x7a: {  	_ =	shalt  }
0x7b: {  	_ =	shalt  }
0x7c: {  	_ =	shalt  }
0x7d: {  	_ =	shalt  }
0x7e: {  	_ =	shalt  }
0x7f: {  	_ =	shalt  }
0x80: {  	_ =	shalt  }
0x81: {  	_ =	shalt  }
0x82: {  	_ =	shalt  }
0x83: {  	_ =	shalt  }
0x84: {  	_ =	shalt  }
0x85: {  	_ =	shalt  }
0x86: {  	_ =	shalt  }
0x87: {  	_ =	shalt  }
.Lfunc_end0:
.L_simem_size_0:
called_computation.1_lowered:
.L_overlay_start_0:
0x88: {  	s2 =	sld [smem:$0x3FD9]  }
0x89: {  	s3 =	sld [smem:$0x3FFE];
	_ =	sdelay $0x1  }
0x8a: {  	s1 =	srdreg.scid  }
0x8b: {  	s0 =	sand.u32 $0x1, s1  }
0x8c: {  	s16 =	sshll.u32 s0, $0xA;
	s2 =	sadd.s32 s3, s2  }
0x8d: {  	s2 =	sadd.s32 s2, s16  }
0x8e: {  	[smem:$0x3FC6] =	sst s2  }
0x8f: {  	_ = 	snop  }
0x90: {  	(tm) =	ssettm $0x1  }
0x91: {  	s17 =	sld [smem:$0x3FFB];
	_ =	sdelay $0x3  }
0x92: {  	_ =	strace s17  }
0x93: {  	s2 =	sld [smem:$0x3FFC];
	_ =	sdelay $0x3  }
0x94: {  	_ =	strace s2  }
0x95: {  	s2 =	sld [smem:$0x3FFD];
	_ =	sdelay $0x3  }
0x96: {  	_ =	strace s2  }
0x97: {  	_ =	strace $0x8FFFFFFF  }
0x98: {  	s18 =	sld [smem:$0x3FDB];
	_ =	sdelay $0x1  }
0x99: {  	s19 =	simm.s32 $_scs_section_size  }
0x9a: {  	s4 =	simm.s32 $_size__tile_overlayer_lowered;
	s5 =	simm.s32 $_tile_overlayer_lowered  }
0x9b: {  	s22 =	simm.s32 $0x1BFF;
	s21 =	sshll.u32 s5, $0x1;
	s2 =	sadd.s32 s19, s18  }
0x9c: {  	s6 =	simm.s32 $0x0;
	s20 =	sshll.u32 s4, $0x1;
	s4 =	sadd.s32 s21, s2  }
0x9d: {  	[timem:s6], [sflag:s22] =	dma.local [hbm:s4], s20  }
0x9e: {  	_ =	swait.ge [sflag:s22], s20  }
0x9f: {  	s3 =	ssub.s32 $0x0, s20;
	[sflag:s22] =	ssyncset.done $0x0  }
0xa0: {  	[sflag:s22] =	ssyncadd.s32 s3;
	_ =	sdelay $0x1  }
0xa1: {  	s23 =	simm.s32 $0x1B8B  }
0xa2: {  	_ =	swait.ge [sflag:s23], $0x1  }
0xa3: {  	[sflag:s23] =	ssyncset.done $0x0  }
0xa4: {  	s25 =	simm.s32 $0x1B8E;
	s24 =	sld [smem:$0x3FFE];
	[sflag:s23] =	ssyncadd.s32 $0xFFFFFFFF  }
0xa5: {  	s26 =	simm.s32 $execute0_lowered;
	[smem:$0x3FD2] =	sst s25  }
0xa6: {  	s4 =	sshll.u32 s26, $0x1;
	_ =	strace $0x80000049;
	[dreg:$0x1] =	wrdreg $0xFFFFFFFF  }
0xa7: {  	s28 =	simm.s32 $_size_execute0_lowered;
	s2 =	sadd.s32 s2, s4;
	[dreg:$0x0] =	wrdreg $0x0  }
0xa8: {  	s4 =	sshll.u32 s28, $0x1;
	[dreg:$0x2] =	wrdreg s2  }
0xa9: {  	[dreg:$0x3] =	wrdreg s4  }
0xaa: {  	[dreg:$0x4] =	wrdreg $0xC0  }
0xab: {  	_ =	task [dreg:s6], $0x5FFFF  }
0xac: {  	[dreg:$0x1] =	wrdreg $0xFFFFFFFF  }
0xad: {  	[dreg:$0x0] =	wrdreg $0x60  }
0xae: {  	[dreg:$0x2] =	wrdreg s24  }
0xaf: {  	[dreg:$0x3] =	wrdreg $0x9  }
0xb0: {  	_ =	task.clear_ibuf [dreg:s6], $0x4FFFF;
	_ =	strace $0x90000049  }
0xb1: {  	s29 =	simm.s32 $0x9;
	_ =	strace $0x8000004B  }
0xb2: {  	_ =	swait.ge [sflag:s29], $0x1  }
0xb3: {  	[sflag:s29] =	ssyncadd.s32 $0xFFFFFFFF  }
0xb4: {  	_ =	strace $0x9000004B  }
0xb5: {  	_ =	sfence  }
0xb6: {  	s30 =	sld [smem:$0x0];
	_ =	sdelay $0x2  }
0xb7: {  	s31 =	sshll.u32 s1, $0xD;
	s1 =	sshrl.u32 s1, $0x2  }
0xb8: {  	s3 =	sand.u32 $0x4000, s31;
	s1 =	sadd.s32 s1, s30  }
0xb9: {  	s0 =	sor.u32 s3, s0;
	s1 =	sshll.u32 s1, $0x11  }
0xba: {  	s0 =	sor.u32 s1, s0  }
0xbb: {  	s0 =	sadd.s32 $0x8F2B, s0  }
0xbc: {  	[sflag:s0] =	ssyncadd.remote.s32 $0x1  }
0xbd: {  	_ =	sfence.sel $0xFFFF  }
0xbe: {  	[dreg:$0x0] =	wrdreg $0xFFFFFFFF;
	(pc) =	sbr.abs _section_cstart, $3  }
0xbf: {  	[dreg:$0x1] =	wrdreg $0xFFFFFFFF  }
0xc0: {  	_ =	task.clear_ibuf [dreg:s6], $0x2FFFF;
	_ =	strace $0x9FFFFFFF  }
0xc1: {  	(tm) =	ssettm $0x7FFFFFFF  }
tec
execute0_lowered:
.L_overlay_start_1:
0x0: {  	(tag) =	ssettag $0x1  }
0x1: {  	s0 =	stileid.u32;
	s1 =	srdreg.scid  }
0x2: {  	s8 =	rddreg [dreg:$0x0];
	s9 =	sand.u32 $0x1, s1;
	s3 =	sshll.u32 s0, $0x1  }
0x3: {  	s2 =	simm.s32 $0x0;
	s1 =	rddreg [dreg:$0x1];
	s10 =	sor.u32 s9, s3  }
0x4: {  	[smem:$0x7FF] =	sst s2;
	s3 =	sshll.u32 s10, $0xB  }
0x5: {  	_ =	strace $0x8000004A;
	s4 =	sadd.s32 s8, s3;
	s3 =	simm.s32 $0x1  }
0x6: {  	[tilespmem:s2], [sflag:$0x1] =	stream.linear.gather [hbm4b:s4+s2], $0x10, $0x38;
	[tilespmem:$0x8480] =	vst v63  }
0x7: {  	_ =	swait.ge [sflag:s3], $0x10  }
0x8: {  	[sflag:s3] =	ssyncset.done $0x0  }
0x9: {  	s6 =	simm.s32 $0x4000;
	s5 =	sadd.s32 $0x10000, s8;
	[sflag:s3] =	ssyncadd.s32 $0xFFFFFFF0  }
0xa: {  	[tilespmem:s6], [sflag:$0x1] =	stream.linear.gather [hbm4b:s5+s2], $0x80, $0x38;
	[tilespmem:$0x8480] =	vst v63  }
0xb: {  	_ =	swait.ge [sflag:s3], $0x80  }
0xc: {  	[sflag:s3] =	ssyncset.done $0x0  }
0xd: {  	[sflag:s3] =	ssyncadd.s32 $0xFFFFFF80  }
0xe: {  	v0 =	vld [tilespmem:$0x0];
	_ =	sdelay $0x2  }
0xf: {  	v1 =	vld [tilespmem:$0x4000];
	_ =	sdelay $0x1  }
0x10: {  	vm0 =	vlt.s32 v0, $0x0;
	v2 =	vxor.u32 $0xFFFFFFFF, v0;
	v0 =	vor.u32 $0x80000000, v0  }
0x11: {  	v3 =	vlaneseq.u32;
	v2 =	vsel vm0, v2, v0  }
0x12: {  	v0 =	vmul.u32 $0x400, v3;
	v3 =	vshrl.u32 v2, $0xC;
	v2 =	vshrl.u32 v2, $0x16  }
0x13: {  	vm15 =	veq.s32 v2, v1;
	v1 =	vand.u32 $0x3FF, v3  }
0x14: {  	v3 =	vor.u32 v0, v1;
	_ =	sdelay $0x2  }
0x15: {  	v1 =	vimm.f32 $0.0e+00  }
0x16: {  	s7 =	simm.s32 $0x4080;
	v2 =	vimm.f32 $1.000000000e+00;
	[tilespmem:$0x4080] =	vst v1  }
0x17: {  	[tilespmem:v3+s7+$0x0] =	vst.idx.add.f32.msk vm15, v2  }
0x18: {  	v3 =	vld [tilespmem:$0x4080];
	_ =	sdelay $0x1  }
0x19: {  	v4 =	vld [tilespmem:$0x4480];
	_ =	sdelay $0x1  }
0x1a: {  	v5 =	vld [tilespmem:$0x4880]  }
0x1b: {  	v3 =	vadd.f32 $0.0e+00, v3  }
0x1c: {  	v6 =	vld [tilespmem:$0x4C80]  }
0x1d: {  	v3 =	vadd.f32 v4, v3  }
0x1e: {  	v52 =	vld [tilespmem:$0x5080]  }
0x1f: {  	v3 =	vadd.f32 v5, v3  }
0x20: {  	v53 =	vld [tilespmem:$0x5480]  }
0x21: {  	v3 =	vadd.f32 v6, v3  }
0x22: {  	v54 =	vld [tilespmem:$0x5880]  }
0x23: {  	v3 =	vadd.f32 v52, v3  }
0x24: {  	v55 =	vld [tilespmem:$0x5C80]  }
0x25: {  	v3 =	vadd.f32 v53, v3  }
0x26: {  	v56 =	vld [tilespmem:$0x6080]  }
0x27: {  	v3 =	vadd.f32 v54, v3  }
0x28: {  	v57 =	vld [tilespmem:$0x6480]  }
0x29: {  	v3 =	vadd.f32 v55, v3  }
0x2a: {  	v58 =	vld [tilespmem:$0x6880]  }
0x2b: {  	v3 =	vadd.f32 v56, v3  }
0x2c: {  	v59 =	vld [tilespmem:$0x6C80]  }
0x2d: {  	v3 =	vadd.f32 v57, v3  }
0x2e: {  	v60 =	vld [tilespmem:$0x7080]  }
0x2f: {  	v3 =	vadd.f32 v58, v3  }
0x30: {  	v61 =	vld [tilespmem:$0x7480]  }
0x31: {  	v3 =	vadd.f32 v59, v3  }
0x32: {  	v62 =	vld [tilespmem:$0x7880]  }
0x33: {  	v3 =	vadd.f32 v60, v3  }
0x34: {  	v63 =	vld [tilespmem:$0x7C80]  }
0x35: {  	s9 =	ssub.s32 $0x2, s9;
	v3 =	vadd.f32 v61, v3  }
0x36: {  	s31 =	sshrl.u32 s9, $0x1  }
0x37: {  	s11 =	sshll.u32 s0, $0x8;
	s9 =	ssub.s32 s9, s31;
	v3 =	vadd.f32 v62, v3  }
0x38: {  	s11 =	sand.u32 $0xC00, s11;
	s10 =	sshll.u32 s10, $0x4;
	s12 =	smax.u32 s9, $0x1  }
0x39: {  	s8 =	sadd.s32 s11, s8;
	s10 =	sand.u32 $0x70, s10;
	p0 =	sne.s32 s12, $0x1;
	v3 =	vadd.f32 v63, v3  }
.Ltmp0:
0x3a: {  	s11 =	simm.s32 $0x8080;
	s8 =	sadd.s32 s10, s8;
	(pc) =	sbr.rel @!p0 .LBB2_2-.Ltmp0, $4  }
0x3b: {  	s9 =	simm.s32 $0x80;
	s10 =	simm.s32 $0x400;
	s8 =	sadd.s32 $0x10200, s8;
	[tilespmem:$0x8080] =	vst v3  }
0x3c: {  	[hbm4b:s8+s9] =	stream.strided.scatter [tilespmem:s11], [sflag:$0x1], $0x400, s10, s9, $0x38;
	[tilespmem:$0x8480] =	vst v63  }
0x3d: {  	_ =	swait.ge [sflag:s3], $0x400  }
0x3e: {  	s12 =	sadd.s32 $0xFFFFFFFF, s12;
	[sflag:s3] =	ssyncset.done $0x0  }
.LBB2_1:
0x3f: {  	p0 =	sne.s32 s12, $0x1;
	s12 =	sadd.s32 $0xFFFFFFFF, s12;
	[sflag:s3] =	ssyncadd.s32 $0xFFFFFC00  }
0x40: {  	[tilespmem:s2], [sflag:$0x1] =	stream.linear.gather [hbm4b:s4+s2], $0x10, $0x38;
	[tilespmem:$0x8480] =	vst v63  }
0x41: {  	_ =	swait.ge [sflag:s3], $0x10  }
0x42: {  	[sflag:s3] =	ssyncset.done $0x0  }
0x43: {  	[sflag:s3] =	ssyncadd.s32 $0xFFFFFFF0  }
0x44: {  	[tilespmem:s6], [sflag:$0x1] =	stream.linear.gather [hbm4b:s5+s2], $0x80, $0x38;
	[tilespmem:$0x8480] =	vst v63  }
0x45: {  	_ =	swait.ge [sflag:s3], $0x80  }
0x46: {  	[sflag:s3] =	ssyncset.done $0x0  }
0x47: {  	[sflag:s3] =	ssyncadd.s32 $0xFFFFFF80  }
0x48: {  	v3 =	vld [tilespmem:$0x0];
	_ =	sdelay $0x2  }
0x49: {  	v4 =	vld [tilespmem:$0x4000];
	_ =	sdelay $0x1  }
0x4a: {  	vm0 =	vlt.s32 v3, $0x0;
	v5 =	vxor.u32 $0xFFFFFFFF, v3;
	v3 =	vor.u32 $0x80000000, v3  }
0x4b: {  	v3 =	vsel vm0, v5, v3  }
0x4c: {  	v5 =	vshrl.u32 v3, $0xC;
	v3 =	vshrl.u32 v3, $0x16  }
0x4d: {  	vm0 =	veq.s32 v3, v4;
	v3 =	vand.u32 $0x3FF, v5  }
0x4e: {  	v3 =	vor.u32 v0, v3;
	_ =	sdelay $0x3  }
0x4f: {  	[tilespmem:$0x4080] =	vst v1  }
0x50: {  	[tilespmem:v3+s7+$0x0] =	vst.idx.add.f32.msk vm0, v2  }
0x51: {  	v3 =	vld [tilespmem:$0x4080]  }
0x52: {  	v4 =	vld [tilespmem:$0x4480]  }
0x53: {  	v5 =	vld [tilespmem:$0x4880]  }
0x54: {  	v6 =	vld [tilespmem:$0x4C80]  }
0x55: {  	v7 =	vld [tilespmem:$0x5080]  }
0x56: {  	v3 =	vadd.f32 $0.0e+00, v3;
	v8 =	vld [tilespmem:$0x5480]  }
0x57: {  	v9 =	vld [tilespmem:$0x5880]  }
0x58: {  	v3 =	vadd.f32 v4, v3;
	v4 =	vld [tilespmem:$0x5C80]  }
0x59: {  	v10 =	vld [tilespmem:$0x6080]  }
0x5a: {  	v3 =	vadd.f32 v5, v3;
	v5 =	vld [tilespmem:$0x6480]  }
0x5b: {  	v11 =	vld [tilespmem:$0x6880]  }
0x5c: {  	v3 =	vadd.f32 v6, v3;
	v6 =	vld [tilespmem:$0x6C80]  }
0x5d: {  	v12 =	vld [tilespmem:$0x7080]  }
0x5e: {  	v3 =	vadd.f32 v7, v3;
	v7 =	vld [tilespmem:$0x7480]  }
0x5f: {  	v13 =	vld [tilespmem:$0x7880]  }
0x60: {  	v3 =	vadd.f32 v8, v3;
	v8 =	vld [tilespmem:$0x7C80];
	_ =	sdelay $0x1  }
0x61: {  	v3 =	vadd.f32 v9, v3;
	_ =	sdelay $0x1  }
0x62: {  	v3 =	vadd.f32 v4, v3;
	_ =	sdelay $0x1  }
0x63: {  	v3 =	vadd.f32 v10, v3;
	_ =	sdelay $0x1  }
0x64: {  	v3 =	vadd.f32 v5, v3;
	_ =	sdelay $0x1  }
0x65: {  	v3 =	vadd.f32 v11, v3;
	_ =	sdelay $0x1  }
0x66: {  	v3 =	vadd.f32 v6, v3;
	_ =	sdelay $0x1  }
0x67: {  	v3 =	vadd.f32 v12, v3;
	_ =	sdelay $0x1  }
0x68: {  	v3 =	vadd.f32 v7, v3;
	_ =	sdelay $0x1  }
0x69: {  	v3 =	vadd.f32 v13, v3;
	_ =	sdelay $0x1  }
0x6a: {  	v3 =	vadd.f32 v8, v3  }
.Ltmp1:
0x6b: {  	(pc) =	sbr.rel @p0 .LBB2_1-.Ltmp1, $4  }
0x6c: {  	[tilespmem:$0x8080] =	vst v3  }
0x6d: {  	[hbm4b:s8+s9] =	stream.strided.scatter [tilespmem:s11], [sflag:$0x1], $0x400, s10, s9, $0x38;
	[tilespmem:$0x8480] =	vst v63  }
0x6e: {  	_ =	swait.ge [sflag:s3], $0x400  }
0x6f: {  	[sflag:s3] =	ssyncset.done $0x0  }
.LBB2_2:
0x70: {  	[sflag:s3] =	ssyncadd.s32 $0xFFFFFC00  }
0x71: {  	_ =	sfence.sel $0x180000  }
0x72: {  	[bflag:$0x0] =	sbarrier.arrive $0xFFFF  }
0x73: {  	p0 =	sne.s32 s0, $0x0;
	_ =	strace $0x9000004A  }
0x74: {  	s0 =	sadd.s32 @!p0 $0x100000, s1;
	[bflag:$0x2] =	sbarrier.arrive $0xFFFF  }
0x75: {  	[sflag:s0] =	ssyncadd.tile.s32 @!p0 $0x1;
	_ =	shalt  }
.Lfunc_end2:
_tile_overlayer_lowered:
.L_overlay_start_2:
0x76: {  	(tag) =	ssettag $0x2  }
0x77: {  	s0 =	rddreg [dreg:$0x0];
	s2 =	stileid.u32  }
0x78: {  	s1 =	rddreg [dreg:$0x1];
	p0 =	sne.s32 s2, $0x0  }
0x79: {  	s3 =	rddreg [dreg:$0x2];
	[bflag:$0x3] =	sbarrier.arrive $0xFFFF;
	s2 =	simm.s32 @!p0 $0x1C01  }
0x7a: {  	[timem:s3], [sflag:s2] =	dma.local @!p0 [hbm:s0], s1  }
0x7b: {  	s0 =	simm.s32 @!p0 $0x1  }
0x7c: {  	_ =	swait.ge @!p0 [sflag:s0], s1  }
0x7d: {  	s1 =	ssub.s32 @!p0 $0x0, s1;
	[sflag:s0] =	ssyncset.done @!p0 $0x0  }
0x7e: {  	[sflag:s0] =	ssyncadd.s32 @!p0 s1  }
0x7f: {  	[bflag:$0x3] =	sbarrier.arrive $0xFFFF  }
0x80: {  	_ =	shalt  }

</sc_bundles>
